<compile_context>
chip_gen: v7x
topology: tpu7x:2x2x1
jax: 0.10.2.dev20260603
libtpu: 0.0.44.dev20260713+nightly
codegen_flags: <defaults>
</compile_context>

<pallas_src>
import functools

import jax
import jax.numpy as jnp
from jax import lax
from jax.experimental import pallas as pl
from jax.experimental.pallas import tpu as pltpu
from jax.experimental.pallas import tpu_sc as plsc

NC = 2
NS = 16
NW = NC * NS
GPC = 2
ROWS = 2
NBUF = 8


@functools.partial(jax.jit, static_argnums=(2, 3))
def _embed(idx, weight, s, d):
    n_chunks = idx.shape[1]
    glen = idx.shape[3]
    assert n_chunks % NBUF == 0 and idx.shape[2] == GPC and glen == s
    n_rounds = n_chunks // NBUF
    mesh = plsc.VectorSubcoreMesh(core_axis_name="c", subcore_axis_name="s")

    @functools.partial(
        pl.kernel,
        mesh=mesh,
        out_type=jax.ShapeDtypeStruct((NW * n_chunks * ROWS, s, d),
                                      jnp.float32),
        scratch_types=(
            [pltpu.VMEM((n_chunks, GPC, glen), jnp.int32)]
            + [pltpu.VMEM((ROWS, s, d), jnp.float32) for _ in range(NBUF)]
            + [pltpu.SemaphoreType.DMA for _ in range(2 * NBUF)]
        ),
        compiler_params=pltpu.CompilerParams(use_tc_tiling_on_sc=True),
    )
    def emb(idx_hbm, table_hbm, out_hbm, idx_v, *bufs_and_sems):
        bufs = bufs_and_sems[:NBUF]
        gsem = bufs_and_sems[NBUF:2 * NBUF]
        wsem = bufs_and_sems[2 * NBUF:]
        wid = lax.axis_index("s") * NC + lax.axis_index("c")
        pltpu.sync_copy(idx_hbm.at[wid], idx_v)

        def gather(c, b):
            for g in range(GPC):
                pltpu.async_copy(table_hbm.at[idx_v.at[c, g]],
                                 bufs[b].at[g], gsem[b])

        def wait_gather(c, b):
            for g in range(GPC):
                pltpu.make_async_copy(
                    table_hbm.at[idx_v.at[c, g]],
                    bufs[b].at[g], gsem[b]).wait()

        for b in range(NBUF):
            gather(b, b)

        def round_body(r, carry):
            for b in range(NBUF):
                c = r * NBUF + b
                wait_gather(c, b)
                row = (wid * n_chunks + c) * ROWS
                pltpu.async_copy(
                    bufs[b], out_hbm.at[pl.ds(row, ROWS)], wsem[b])
                pltpu.make_async_copy(
                    bufs[b], out_hbm.at[pl.ds(row, ROWS)], wsem[b]).wait()

                @pl.when(r + 1 < n_rounds)
                def _():
                    gather(c + NBUF, b)
            return carry

        lax.fori_loop(0, n_rounds, round_body, 0)

    return emb(idx, weight)


def kernel(x, weight):
    b0, s = x.shape
    v, d = weight.shape
    glen = s
    assert (b0 * s) % (NW * GPC * glen) == 0
    n_chunks = b0 * s // (NW * GPC * glen)
    idx = x.astype(jnp.int32).reshape(NW, n_chunks, GPC, glen)
    out = _embed(idx, weight, s, d)
    return out.reshape(b0, s, d)

# --- scband reference (transcript-rebuilt; emitter-appended) ---
"""Pipeline reference for scband-token-embedding-84954453115275 (READ-ONLY COPY).

The authoritative reference and input builder live on the scoring server;
editing this copy changes nothing except your own understanding.
"""

import jax, jax.numpy as jnp
import numpy as np

V = 100000
D_MODEL = 128

def setup_inputs(seed: int = 0) -> dict:
    key = jax.random.key(seed)
    k_idx, k_w = jax.random.split(key)
    x = jax.random.randint(k_idx, (4096, 50), 0, V, dtype=jnp.int64) if jax.config.jax_enable_x64 else jax.random.randint(k_idx, (4096, 50), 0, V, dtype=jnp.int32)
    weight = jax.random.normal(k_w, (V, D_MODEL), dtype=jnp.float32)
    return {"x": x, "weight": weight}

def reference(x, weight):
    # TokenEmbedding.forward -> encode -> nn.Embedding lookup
    y = jnp.take(weight, x, axis=0)
    return y

if __name__ == "__main__":
    import jax
    _d = setup_inputs()
    print(jax.jit(kernel)(*tuple(_d.values())))

</pallas_src>

<mosaic_0001>
#map = affine_map<(d0, d1) -> (0, 0, 0, 0)>
#map1 = affine_map<(d0, d1) -> (0, 0)>
#map2 = affine_map<(d0, d1) -> (0, 0, 0)>
module attributes {stable_mosaic.version = 14 : i64} {
  func.func @emb(%arg0: i32, %arg1: i32, %arg2: memref<32x64x2x50xi32, #tpu.memory_space<hbm>>, %arg3: memref<100000x128xf32, #tpu.memory_space<hbm>>, %arg4: memref<4096x50x128xf32, #tpu.memory_space<hbm>>, %arg5: memref<64x2x50xi32, #tpu.memory_space<vmem>>, %arg6: memref<2x50x128xf32, #tpu.memory_space<vmem>>, %arg7: memref<2x50x128xf32, #tpu.memory_space<vmem>>, %arg8: memref<2x50x128xf32, #tpu.memory_space<vmem>>, %arg9: memref<2x50x128xf32, #tpu.memory_space<vmem>>, %arg10: memref<2x50x128xf32, #tpu.memory_space<vmem>>, %arg11: memref<2x50x128xf32, #tpu.memory_space<vmem>>, %arg12: memref<2x50x128xf32, #tpu.memory_space<vmem>>, %arg13: memref<2x50x128xf32, #tpu.memory_space<vmem>>, %arg14: memref<!tpu.dma_semaphore, #tpu.memory_space<semaphore_mem>>, %arg15: memref<!tpu.dma_semaphore, #tpu.memory_space<semaphore_mem>>, %arg16: memref<!tpu.dma_semaphore, #tpu.memory_space<semaphore_mem>>, %arg17: memref<!tpu.dma_semaphore, #tpu.memory_space<semaphore_mem>>, %arg18: memref<!tpu.dma_semaphore, #tpu.memory_space<semaphore_mem>>, %arg19: memref<!tpu.dma_semaphore, #tpu.memory_space<semaphore_mem>>, %arg20: memref<!tpu.dma_semaphore, #tpu.memory_space<semaphore_mem>>, %arg21: memref<!tpu.dma_semaphore, #tpu.memory_space<semaphore_mem>>, %arg22: memref<!tpu.dma_semaphore, #tpu.memory_space<semaphore_mem>>, %arg23: memref<!tpu.dma_semaphore, #tpu.memory_space<semaphore_mem>>, %arg24: memref<!tpu.dma_semaphore, #tpu.memory_space<semaphore_mem>>, %arg25: memref<!tpu.dma_semaphore, #tpu.memory_space<semaphore_mem>>, %arg26: memref<!tpu.dma_semaphore, #tpu.memory_space<semaphore_mem>>, %arg27: memref<!tpu.dma_semaphore, #tpu.memory_space<semaphore_mem>>, %arg28: memref<!tpu.dma_semaphore, #tpu.memory_space<semaphore_mem>>, %arg29: memref<!tpu.dma_semaphore, #tpu.memory_space<semaphore_mem>>) attributes {dimension_semantics = [#tpu.dimension_semantics<core_parallel>, #tpu.dimension_semantics<subcore_parallel>], iteration_bounds = array<i64: 2, 16>, scalar_prefetch = 0 : i64, scratch_operands = 25 : i64, tpu.core_type = #tpu.core_type<sc_vector_subcore>, window_params = [{transform_indices = #map}, {transform_indices = #map1}, {transform_indices = #map2}]} {
    %mul3A = arith.constant 2 : i32
    %mul3A_0 = arith.muli %arg1, %mul3A : i32
    %add3A = arith.addi %mul3A_0, %arg0 : i32
    "tpu.region"() ({
      %run_scoped3A = tpu.sem_alloc : memref<!tpu.dma_semaphore, #tpu.memory_space<semaphore_mem>>
      %dma_start3A_213 = arith.constant 0 : i32
      %dma_start3A_214 = arith.constant 0 : i32
      %dma_start3A_215 = arith.constant 0 : i32
      %dma_start3A_216 = tpu.memref_slice %arg2[%add3A, %dma_start3A_213, %dma_start3A_214, %dma_start3A_215] : memref<32x64x2x50xi32, #tpu.memory_space<hbm>> -> memref<1x64x2x50xi32, #tpu.memory_space<hbm>>
      %dma_start3A_217 = tpu.memref_squeeze %dma_start3A_216 : memref<1x64x2x50xi32, #tpu.memory_space<hbm>> -> memref<64x2x50xi32, #tpu.memory_space<hbm>>
      %dma_start3A_218 = arith.constant 0 : i32
      %dma_start3A_219 = arith.constant 0 : i32
      %dma_start3A_220 = arith.constant 0 : i32
      %dma_start3A_221 = tpu.memref_slice %arg2[%add3A, %dma_start3A_218, %dma_start3A_219, %dma_start3A_220] : memref<32x64x2x50xi32, #tpu.memory_space<hbm>> -> memref<1x64x2x50xi32, #tpu.memory_space<hbm>>
      %dma_start3A_222 = tpu.memref_squeeze %dma_start3A_221 : memref<1x64x2x50xi32, #tpu.memory_space<hbm>> -> memref<64x2x50xi32, #tpu.memory_space<hbm>>
      tpu.enqueue_dma source(%dma_start3A_222 : memref<64x2x50xi32, #tpu.memory_space<hbm>>) target(%arg5 : memref<64x2x50xi32, #tpu.memory_space<vmem>>) target_semaphore(%run_scoped3A : memref<!tpu.dma_semaphore, #tpu.memory_space<semaphore_mem>>)
      %dma_wait3A = arith.constant 0 : i32
      %dma_wait3A_223 = arith.constant 0 : i32
      %dma_wait3A_224 = arith.constant 0 : i32
      %dma_wait3A_225 = tpu.memref_slice %arg2[%add3A, %dma_wait3A, %dma_wait3A_223, %dma_wait3A_224] : memref<32x64x2x50xi32, #tpu.memory_space<hbm>> -> memref<1x64x2x50xi32, #tpu.memory_space<hbm>>
      %dma_wait3A_226 = tpu.memref_squeeze %dma_wait3A_225 : memref<1x64x2x50xi32, #tpu.memory_space<hbm>> -> memref<64x2x50xi32, #tpu.memory_space<hbm>>
      %dma_wait3A_227 = arith.constant 0 : i32
      %dma_wait3A_228 = arith.constant 0 : i32
      %dma_wait3A_229 = arith.constant 0 : i32
      %dma_wait3A_230 = tpu.memref_slice %arg2[%add3A, %dma_wait3A_227, %dma_wait3A_228, %dma_wait3A_229] : memref<32x64x2x50xi32, #tpu.memory_space<hbm>> -> memref<1x64x2x50xi32, #tpu.memory_space<hbm>>
      %dma_wait3A_231 = tpu.memref_squeeze %dma_wait3A_230 : memref<1x64x2x50xi32, #tpu.memory_space<hbm>> -> memref<64x2x50xi32, #tpu.memory_space<hbm>>
      tpu.wait_dma2 semaphore(%run_scoped3A : memref<!tpu.dma_semaphore, #tpu.memory_space<semaphore_mem>>) src(%dma_wait3A_231 : memref<64x2x50xi32, #tpu.memory_space<hbm>>) dst(%arg5 : memref<64x2x50xi32, #tpu.memory_space<vmem>>)
      tpu.yield
    }) : () -> ()
    %dma_start3A = arith.constant 0 : i32
    %dma_start3A_1 = arith.constant 0 : i32
    %dma_start3A_2 = arith.constant 0 : i32
    %dma_start3A_3 = arith.constant 0 : i32
    %dma_start3A_4 = arith.constant 0 : i32
    %dma_start3A_5 = tpu.memref_slice %arg6[%dma_start3A_2, %dma_start3A_3, %dma_start3A_4] : memref<2x50x128xf32, #tpu.memory_space<vmem>> -> memref<1x50x128xf32, #tpu.memory_space<vmem>>
    %dma_start3A_6 = tpu.memref_squeeze %dma_start3A_5 : memref<1x50x128xf32, #tpu.memory_space<vmem>> -> memref<50x128xf32, #tpu.memory_space<vmem>>
    %dma_start3A_7 = arith.constant 0 : i32
    %dma_start3A_8 = tpu.memref_slice %arg5[%dma_start3A, %dma_start3A_1, %dma_start3A_7] : memref<64x2x50xi32, #tpu.memory_space<vmem>> -> memref<1x1x50xi32, #tpu.memory_space<vmem>>
    %dma_start3A_9 = tpu.memref_squeeze %dma_start3A_8 : memref<1x1x50xi32, #tpu.memory_space<vmem>> -> memref<50xi32, #tpu.memory_space<vmem>>
    %dma_start3A_10 = arith.constant 0 : i32
    %dma_start3A_11 = arith.constant 0 : i32
    %dma_start3A_12 = tpu.memref_slice %arg3[%dma_start3A_10, %dma_start3A_11] : memref<100000x128xf32, #tpu.memory_space<hbm>> -> memref<100000x128xf32, #tpu.memory_space<hbm>>
    tpu.enqueue_indirect_dma source(%dma_start3A_12 : memref<100000x128xf32, #tpu.memory_space<hbm>>) target(%dma_start3A_6 : memref<50x128xf32, #tpu.memory_space<vmem>>) offsets(%dma_start3A_9 : memref<50xi32, #tpu.memory_space<vmem>>) semaphore(%arg14 : memref<!tpu.dma_semaphore, #tpu.memory_space<semaphore_mem>>)
    %dma_start3A_13 = arith.constant 0 : i32
    %dma_start3A_14 = arith.constant 1 : i32
    %dma_start3A_15 = arith.constant 1 : i32
    %dma_start3A_16 = arith.constant 0 : i32
    %dma_start3A_17 = arith.constant 0 : i32
    %dma_start3A_18 = tpu.memref_slice %arg6[%dma_start3A_15, %dma_start3A_16, %dma_start3A_17] : memref<2x50x128xf32, #tpu.memory_space<vmem>> -> memref<1x50x128xf32, #tpu.memory_space<vmem>>
    %dma_start3A_19 = tpu.memref_squeeze %dma_start3A_18 : memref<1x50x128xf32, #tpu.memory_space<vmem>> -> memref<50x128xf32, #tpu.memory_space<vmem>>
    %dma_start3A_20 = arith.constant 0 : i32
    %dma_start3A_21 = tpu.memref_slice %arg5[%dma_start3A_13, %dma_start3A_14, %dma_start3A_20] : memref<64x2x50xi32, #tpu.memory_space<vmem>> -> memref<1x1x50xi32, #tpu.memory_space<vmem>>
    %dma_start3A_22 = tpu.memref_squeeze %dma_start3A_21 : memref<1x1x50xi32, #tpu.memory_space<vmem>> -> memref<50xi32, #tpu.memory_space<vmem>>
    %dma_start3A_23 = arith.constant 0 : i32
    %dma_start3A_24 = arith.constant 0 : i32
    %dma_start3A_25 = tpu.memref_slice %arg3[%dma_start3A_23, %dma_start3A_24] : memref<100000x128xf32, #tpu.memory_space<hbm>> -> memref<100000x128xf32, #tpu.memory_space<hbm>>
    tpu.enqueue_indirect_dma source(%dma_start3A_25 : memref<100000x128xf32, #tpu.memory_space<hbm>>) target(%dma_start3A_19 : memref<50x128xf32, #tpu.memory_space<vmem>>) offsets(%dma_start3A_22 : memref<50xi32, #tpu.memory_space<vmem>>) semaphore(%arg14 : memref<!tpu.dma_semaphore, #tpu.memory_space<semaphore_mem>>)
    %dma_start3A_26 = arith.constant 1 : i32
    %dma_start3A_27 = arith.constant 0 : i32
    %dma_start3A_28 = arith.constant 0 : i32
    %dma_start3A_29 = arith.constant 0 : i32
    %dma_start3A_30 = arith.constant 0 : i32
    %dma_start3A_31 = tpu.memref_slice %arg7[%dma_start3A_28, %dma_start3A_29, %dma_start3A_30] : memref<2x50x128xf32, #tpu.memory_space<vmem>> -> memref<1x50x128xf32, #tpu.memory_space<vmem>>
    %dma_start3A_32 = tpu.memref_squeeze %dma_start3A_31 : memref<1x50x128xf32, #tpu.memory_space<vmem>> -> memref<50x128xf32, #tpu.memory_space<vmem>>
    %dma_start3A_33 = arith.constant 0 : i32
    %dma_start3A_34 = tpu.memref_slice %arg5[%dma_start3A_26, %dma_start3A_27, %dma_start3A_33] : memref<64x2x50xi32, #tpu.memory_space<vmem>> -> memref<1x1x50xi32, #tpu.memory_space<vmem>>
    %dma_start3A_35 = tpu.memref_squeeze %dma_start3A_34 : memref<1x1x50xi32, #tpu.memory_space<vmem>> -> memref<50xi32, #tpu.memory_space<vmem>>
    %dma_start3A_36 = arith.constant 0 : i32
    %dma_start3A_37 = arith.constant 0 : i32
    %dma_start3A_38 = tpu.memref_slice %arg3[%dma_start3A_36, %dma_start3A_37] : memref<100000x128xf32, #tpu.memory_space<hbm>> -> memref<100000x128xf32, #tpu.memory_space<hbm>>
    tpu.enqueue_indirect_dma source(%dma_start3A_38 : memref<100000x128xf32, #tpu.memory_space<hbm>>) target(%dma_start3A_32 : memref<50x128xf32, #tpu.memory_space<vmem>>) offsets(%dma_start3A_35 : memref<50xi32, #tpu.memory_space<vmem>>) semaphore(%arg15 : memref<!tpu.dma_semaphore, #tpu.memory_space<semaphore_mem>>)
    %dma_start3A_39 = arith.constant 1 : i32
    %dma_start3A_40 = arith.constant 1 : i32
    %dma_start3A_41 = arith.constant 1 : i32
    %dma_start3A_42 = arith.constant 0 : i32
    %dma_start3A_43 = arith.constant 0 : i32
    %dma_start3A_44 = tpu.memref_slice %arg7[%dma_start3A_41, %dma_start3A_42, %dma_start3A_43] : memref<2x50x128xf32, #tpu.memory_space<vmem>> -> memref<1x50x128xf32, #tpu.memory_space<vmem>>
    %dma_start3A_45 = tpu.memref_squeeze %dma_start3A_44 : memref<1x50x128xf32, #tpu.memory_space<vmem>> -> memref<50x128xf32, #tpu.memory_space<vmem>>
    %dma_start3A_46 = arith.constant 0 : i32
    %dma_start3A_47 = tpu.memref_slice %arg5[%dma_start3A_39, %dma_start3A_40, %dma_start3A_46] : memref<64x2x50xi32, #tpu.memory_space<vmem>> -> memref<1x1x50xi32, #tpu.memory_space<vmem>>
    %dma_start3A_48 = tpu.memref_squeeze %dma_start3A_47 : memref<1x1x50xi32, #tpu.memory_space<vmem>> -> memref<50xi32, #tpu.memory_space<vmem>>
    %dma_start3A_49 = arith.constant 0 : i32
    %dma_start3A_50 = arith.constant 0 : i32
    %dma_start3A_51 = tpu.memref_slice %arg3[%dma_start3A_49, %dma_start3A_50] : memref<100000x128xf32, #tpu.memory_space<hbm>> -> memref<100000x128xf32, #tpu.memory_space<hbm>>
    tpu.enqueue_indirect_dma source(%dma_start3A_51 : memref<100000x128xf32, #tpu.memory_space<hbm>>) target(%dma_start3A_45 : memref<50x128xf32, #tpu.memory_space<vmem>>) offsets(%dma_start3A_48 : memref<50xi32, #tpu.memory_space<vmem>>) semaphore(%arg15 : memref<!tpu.dma_semaphore, #tpu.memory_space<semaphore_mem>>)
    %dma_start3A_52 = arith.constant 2 : i32
    %dma_start3A_53 = arith.constant 0 : i32
    %dma_start3A_54 = arith.constant 0 : i32
    %dma_start3A_55 = arith.constant 0 : i32
    %dma_start3A_56 = arith.constant 0 : i32
    %dma_start3A_57 = tpu.memref_slice %arg8[%dma_start3A_54, %dma_start3A_55, %dma_start3A_56] : memref<2x50x128xf32, #tpu.memory_space<vmem>> -> memref<1x50x128xf32, #tpu.memory_space<vmem>>
    %dma_start3A_58 = tpu.memref_squeeze %dma_start3A_57 : memref<1x50x128xf32, #tpu.memory_space<vmem>> -> memref<50x128xf32, #tpu.memory_space<vmem>>
    %dma_start3A_59 = arith.constant 0 : i32
    %dma_start3A_60 = tpu.memref_slice %arg5[%dma_start3A_52, %dma_start3A_53, %dma_start3A_59] : memref<64x2x50xi32, #tpu.memory_space<vmem>> -> memref<1x1x50xi32, #tpu.memory_space<vmem>>
    %dma_start3A_61 = tpu.memref_squeeze %dma_start3A_60 : memref<1x1x50xi32, #tpu.memory_space<vmem>> -> memref<50xi32, #tpu.memory_space<vmem>>
    %dma_start3A_62 = arith.constant 0 : i32
    %dma_start3A_63 = arith.constant 0 : i32
    %dma_start3A_64 = tpu.memref_slice %arg3[%dma_start3A_62, %dma_start3A_63] : memref<100000x128xf32, #tpu.memory_space<hbm>> -> memref<100000x128xf32, #tpu.memory_space<hbm>>
    tpu.enqueue_indirect_dma source(%dma_start3A_64 : memref<100000x128xf32, #tpu.memory_space<hbm>>) target(%dma_start3A_58 : memref<50x128xf32, #tpu.memory_space<vmem>>) offsets(%dma_start3A_61 : memref<50xi32, #tpu.memory_space<vmem>>) semaphore(%arg16 : memref<!tpu.dma_semaphore, #tpu.memory_space<semaphore_mem>>)
    %dma_start3A_65 = arith.constant 2 : i32
    %dma_start3A_66 = arith.constant 1 : i32
    %dma_start3A_67 = arith.constant 1 : i32
    %dma_start3A_68 = arith.constant 0 : i32
    %dma_start3A_69 = arith.constant 0 : i32
    %dma_start3A_70 = tpu.memref_slice %arg8[%dma_start3A_67, %dma_start3A_68, %dma_start3A_69] : memref<2x50x128xf32, #tpu.memory_space<vmem>> -> memref<1x50x128xf32, #tpu.memory_space<vmem>>
    %dma_start3A_71 = tpu.memref_squeeze %dma_start3A_70 : memref<1x50x128xf32, #tpu.memory_space<vmem>> -> memref<50x128xf32, #tpu.memory_space<vmem>>
    %dma_start3A_72 = arith.constant 0 : i32
    %dma_start3A_73 = tpu.memref_slice %arg5[%dma_start3A_65, %dma_start3A_66, %dma_start3A_72] : memref<64x2x50xi32, #tpu.memory_space<vmem>> -> memref<1x1x50xi32, #tpu.memory_space<vmem>>
    %dma_start3A_74 = tpu.memref_squeeze %dma_start3A_73 : memref<1x1x50xi32, #tpu.memory_space<vmem>> -> memref<50xi32, #tpu.memory_space<vmem>>
    %dma_start3A_75 = arith.constant 0 : i32
    %dma_start3A_76 = arith.constant 0 : i32
    %dma_start3A_77 = tpu.memref_slice %arg3[%dma_start3A_75, %dma_start3A_76] : memref<100000x128xf32, #tpu.memory_space<hbm>> -> memref<100000x128xf32, #tpu.memory_space<hbm>>
    tpu.enqueue_indirect_dma source(%dma_start3A_77 : memref<100000x128xf32, #tpu.memory_space<hbm>>) target(%dma_start3A_71 : memref<50x128xf32, #tpu.memory_space<vmem>>) offsets(%dma_start3A_74 : memref<50xi32, #tpu.memory_space<vmem>>) semaphore(%arg16 : memref<!tpu.dma_semaphore, #tpu.memory_space<semaphore_mem>>)
    %dma_start3A_78 = arith.constant 3 : i32
    %dma_start3A_79 = arith.constant 0 : i32
    %dma_start3A_80 = arith.constant 0 : i32
    %dma_start3A_81 = arith.constant 0 : i32
    %dma_start3A_82 = arith.constant 0 : i32
    %dma_start3A_83 = tpu.memref_slice %arg9[%dma_start3A_80, %dma_start3A_81, %dma_start3A_82] : memref<2x50x128xf32, #tpu.memory_space<vmem>> -> memref<1x50x128xf32, #tpu.memory_space<vmem>>
    %dma_start3A_84 = tpu.memref_squeeze %dma_start3A_83 : memref<1x50x128xf32, #tpu.memory_space<vmem>> -> memref<50x128xf32, #tpu.memory_space<vmem>>
    %dma_start3A_85 = arith.constant 0 : i32
    %dma_start3A_86 = tpu.memref_slice %arg5[%dma_start3A_78, %dma_start3A_79, %dma_start3A_85] : memref<64x2x50xi32, #tpu.memory_space<vmem>> -> memref<1x1x50xi32, #tpu.memory_space<vmem>>
    %dma_start3A_87 = tpu.memref_squeeze %dma_start3A_86 : memref<1x1x50xi32, #tpu.memory_space<vmem>> -> memref<50xi32, #tpu.memory_space<vmem>>
    %dma_start3A_88 = arith.constant 0 : i32
    %dma_start3A_89 = arith.constant 0 : i32
    %dma_start3A_90 = tpu.memref_slice %arg3[%dma_start3A_88, %dma_start3A_89] : memref<100000x128xf32, #tpu.memory_space<hbm>> -> memref<100000x128xf32, #tpu.memory_space<hbm>>
    tpu.enqueue_indirect_dma source(%dma_start3A_90 : memref<100000x128xf32, #tpu.memory_space<hbm>>) target(%dma_start3A_84 : memref<50x128xf32, #tpu.memory_space<vmem>>) offsets(%dma_start3A_87 : memref<50xi32, #tpu.memory_space<vmem>>) semaphore(%arg17 : memref<!tpu.dma_semaphore, #tpu.memory_space<semaphore_mem>>)
    %dma_start3A_91 = arith.constant 3 : i32
    %dma_start3A_92 = arith.constant 1 : i32
    %dma_start3A_93 = arith.constant 1 : i32
    %dma_start3A_94 = arith.constant 0 : i32
    %dma_start3A_95 = arith.constant 0 : i32
    %dma_start3A_96 = tpu.memref_slice %arg9[%dma_start3A_93, %dma_start3A_94, %dma_start3A_95] : memref<2x50x128xf32, #tpu.memory_space<vmem>> -> memref<1x50x128xf32, #tpu.memory_space<vmem>>
    %dma_start3A_97 = tpu.memref_squeeze %dma_start3A_96 : memref<1x50x128xf32, #tpu.memory_space<vmem>> -> memref<50x128xf32, #tpu.memory_space<vmem>>
    %dma_start3A_98 = arith.constant 0 : i32
    %dma_start3A_99 = tpu.memref_slice %arg5[%dma_start3A_91, %dma_start3A_92, %dma_start3A_98] : memref<64x2x50xi32, #tpu.memory_space<vmem>> -> memref<1x1x50xi32, #tpu.memory_space<vmem>>
    %dma_start3A_100 = tpu.memref_squeeze %dma_start3A_99 : memref<1x1x50xi32, #tpu.memory_space<vmem>> -> memref<50xi32, #tpu.memory_space<vmem>>
    %dma_start3A_101 = arith.constant 0 : i32
    %dma_start3A_102 = arith.constant 0 : i32
    %dma_start3A_103 = tpu.memref_slice %arg3[%dma_start3A_101, %dma_start3A_102] : memref<100000x128xf32, #tpu.memory_space<hbm>> -> memref<100000x128xf32, #tpu.memory_space<hbm>>
    tpu.enqueue_indirect_dma source(%dma_start3A_103 : memref<100000x128xf32, #tpu.memory_space<hbm>>) target(%dma_start3A_97 : memref<50x128xf32, #tpu.memory_space<vmem>>) offsets(%dma_start3A_100 : memref<50xi32, #tpu.memory_space<vmem>>) semaphore(%arg17 : memref<!tpu.dma_semaphore, #tpu.memory_space<semaphore_mem>>)
    %dma_start3A_104 = arith.constant 4 : i32
    %dma_start3A_105 = arith.constant 0 : i32
    %dma_start3A_106 = arith.constant 0 : i32
    %dma_start3A_107 = arith.constant 0 : i32
    %dma_start3A_108 = arith.constant 0 : i32
    %dma_start3A_109 = tpu.memref_slice %arg10[%dma_start3A_106, %dma_start3A_107, %dma_start3A_108] : memref<2x50x128xf32, #tpu.memory_space<vmem>> -> memref<1x50x128xf32, #tpu.memory_space<vmem>>
    %dma_start3A_110 = tpu.memref_squeeze %dma_start3A_109 : memref<1x50x128xf32, #tpu.memory_space<vmem>> -> memref<50x128xf32, #tpu.memory_space<vmem>>
    %dma_start3A_111 = arith.constant 0 : i32
    %dma_start3A_112 = tpu.memref_slice %arg5[%dma_start3A_104, %dma_start3A_105, %dma_start3A_111] : memref<64x2x50xi32, #tpu.memory_space<vmem>> -> memref<1x1x50xi32, #tpu.memory_space<vmem>>
    %dma_start3A_113 = tpu.memref_squeeze %dma_start3A_112 : memref<1x1x50xi32, #tpu.memory_space<vmem>> -> memref<50xi32, #tpu.memory_space<vmem>>
    %dma_start3A_114 = arith.constant 0 : i32
    %dma_start3A_115 = arith.constant 0 : i32
    %dma_start3A_116 = tpu.memref_slice %arg3[%dma_start3A_114, %dma_start3A_115] : memref<100000x128xf32, #tpu.memory_space<hbm>> -> memref<100000x128xf32, #tpu.memory_space<hbm>>
    tpu.enqueue_indirect_dma source(%dma_start3A_116 : memref<100000x128xf32, #tpu.memory_space<hbm>>) target(%dma_start3A_110 : memref<50x128xf32, #tpu.memory_space<vmem>>) offsets(%dma_start3A_113 : memref<50xi32, #tpu.memory_space<vmem>>) semaphore(%arg18 : memref<!tpu.dma_semaphore, #tpu.memory_space<semaphore_mem>>)
    %dma_start3A_117 = arith.constant 4 : i32
    %dma_start3A_118 = arith.constant 1 : i32
    %dma_start3A_119 = arith.constant 1 : i32
    %dma_start3A_120 = arith.constant 0 : i32
    %dma_start3A_121 = arith.constant 0 : i32
    %dma_start3A_122 = tpu.memref_slice %arg10[%dma_start3A_119, %dma_start3A_120, %dma_start3A_121] : memref<2x50x128xf32, #tpu.memory_space<vmem>> -> memref<1x50x128xf32, #tpu.memory_space<vmem>>
    %dma_start3A_123 = tpu.memref_squeeze %dma_start3A_122 : memref<1x50x128xf32, #tpu.memory_space<vmem>> -> memref<50x128xf32, #tpu.memory_space<vmem>>
    %dma_start3A_124 = arith.constant 0 : i32
    %dma_start3A_125 = tpu.memref_slice %arg5[%dma_start3A_117, %dma_start3A_118, %dma_start3A_124] : memref<64x2x50xi32, #tpu.memory_space<vmem>> -> memref<1x1x50xi32, #tpu.memory_space<vmem>>
    %dma_start3A_126 = tpu.memref_squeeze %dma_start3A_125 : memref<1x1x50xi32, #tpu.memory_space<vmem>> -> memref<50xi32, #tpu.memory_space<vmem>>
    %dma_start3A_127 = arith.constant 0 : i32
    %dma_start3A_128 = arith.constant 0 : i32
    %dma_start3A_129 = tpu.memref_slice %arg3[%dma_start3A_127, %dma_start3A_128] : memref<100000x128xf32, #tpu.memory_space<hbm>> -> memref<100000x128xf32, #tpu.memory_space<hbm>>
    tpu.enqueue_indirect_dma source(%dma_start3A_129 : memref<100000x128xf32, #tpu.memory_space<hbm>>) target(%dma_start3A_123 : memref<50x128xf32, #tpu.memory_space<vmem>>) offsets(%dma_start3A_126 : memref<50xi32, #tpu.memory_space<vmem>>) semaphore(%arg18 : memref<!tpu.dma_semaphore, #tpu.memory_space<semaphore_mem>>)
    %dma_start3A_130 = arith.constant 5 : i32
    %dma_start3A_131 = arith.constant 0 : i32
    %dma_start3A_132 = arith.constant 0 : i32
    %dma_start3A_133 = arith.constant 0 : i32
    %dma_start3A_134 = arith.constant 0 : i32
    %dma_start3A_135 = tpu.memref_slice %arg11[%dma_start3A_132, %dma_start3A_133, %dma_start3A_134] : memref<2x50x128xf32, #tpu.memory_space<vmem>> -> memref<1x50x128xf32, #tpu.memory_space<vmem>>
    %dma_start3A_136 = tpu.memref_squeeze %dma_start3A_135 : memref<1x50x128xf32, #tpu.memory_space<vmem>> -> memref<50x128xf32, #tpu.memory_space<vmem>>
    %dma_start3A_137 = arith.constant 0 : i32
    %dma_start3A_138 = tpu.memref_slice %arg5[%dma_start3A_130, %dma_start3A_131, %dma_start3A_137] : memref<64x2x50xi32, #tpu.memory_space<vmem>> -> memref<1x1x50xi32, #tpu.memory_space<vmem>>
    %dma_start3A_139 = tpu.memref_squeeze %dma_start3A_138 : memref<1x1x50xi32, #tpu.memory_space<vmem>> -> memref<50xi32, #tpu.memory_space<vmem>>
    %dma_start3A_140 = arith.constant 0 : i32
    %dma_start3A_141 = arith.constant 0 : i32
    %dma_start3A_142 = tpu.memref_slice %arg3[%dma_start3A_140, %dma_start3A_141] : memref<100000x128xf32, #tpu.memory_space<hbm>> -> memref<100000x128xf32, #tpu.memory_space<hbm>>
    tpu.enqueue_indirect_dma source(%dma_start3A_142 : memref<100000x128xf32, #tpu.memory_space<hbm>>) target(%dma_start3A_136 : memref<50x128xf32, #tpu.memory_space<vmem>>) offsets(%dma_start3A_139 : memref<50xi32, #tpu.memory_space<vmem>>) semaphore(%arg19 : memref<!tpu.dma_semaphore, #tpu.memory_space<semaphore_mem>>)
    %dma_start3A_143 = arith.constant 5 : i32
    %dma_start3A_144 = arith.constant 1 : i32
    %dma_start3A_145 = arith.constant 1 : i32
    %dma_start3A_146 = arith.constant 0 : i32
    %dma_start3A_147 = arith.constant 0 : i32
    %dma_start3A_148 = tpu.memref_slice %arg11[%dma_start3A_145, %dma_start3A_146, %dma_start3A_147] : memref<2x50x128xf32, #tpu.memory_space<vmem>> -> memref<1x50x128xf32, #tpu.memory_space<vmem>>
    %dma_start3A_149 = tpu.memref_squeeze %dma_start3A_148 : memref<1x50x128xf32, #tpu.memory_space<vmem>> -> memref<50x128xf32, #tpu.memory_space<vmem>>
    %dma_start3A_150 = arith.constant 0 : i32
    %dma_start3A_151 = tpu.memref_slice %arg5[%dma_start3A_143, %dma_start3A_144, %dma_start3A_150] : memref<64x2x50xi32, #tpu.memory_space<vmem>> -> memref<1x1x50xi32, #tpu.memory_space<vmem>>
    %dma_start3A_152 = tpu.memref_squeeze %dma_start3A_151 : memref<1x1x50xi32, #tpu.memory_space<vmem>> -> memref<50xi32, #tpu.memory_space<vmem>>
    %dma_start3A_153 = arith.constant 0 : i32
    %dma_start3A_154 = arith.constant 0 : i32
    %dma_start3A_155 = tpu.memref_slice %arg3[%dma_start3A_153, %dma_start3A_154] : memref<100000x128xf32, #tpu.memory_space<hbm>> -> memref<100000x128xf32, #tpu.memory_space<hbm>>
    tpu.enqueue_indirect_dma source(%dma_start3A_155 : memref<100000x128xf32, #tpu.memory_space<hbm>>) target(%dma_start3A_149 : memref<50x128xf32, #tpu.memory_space<vmem>>) offsets(%dma_start3A_152 : memref<50xi32, #tpu.memory_space<vmem>>) semaphore(%arg19 : memref<!tpu.dma_semaphore, #tpu.memory_space<semaphore_mem>>)
    %dma_start3A_156 = arith.constant 6 : i32
    %dma_start3A_157 = arith.constant 0 : i32
    %dma_start3A_158 = arith.constant 0 : i32
    %dma_start3A_159 = arith.constant 0 : i32
    %dma_start3A_160 = arith.constant 0 : i32
    %dma_start3A_161 = tpu.memref_slice %arg12[%dma_start3A_158, %dma_start3A_159, %dma_start3A_160] : memref<2x50x128xf32, #tpu.memory_space<vmem>> -> memref<1x50x128xf32, #tpu.memory_space<vmem>>
    %dma_start3A_162 = tpu.memref_squeeze %dma_start3A_161 : memref<1x50x128xf32, #tpu.memory_space<vmem>> -> memref<50x128xf32, #tpu.memory_space<vmem>>
    %dma_start3A_163 = arith.constant 0 : i32
    %dma_start3A_164 = tpu.memref_slice %arg5[%dma_start3A_156, %dma_start3A_157, %dma_start3A_163] : memref<64x2x50xi32, #tpu.memory_space<vmem>> -> memref<1x1x50xi32, #tpu.memory_space<vmem>>
    %dma_start3A_165 = tpu.memref_squeeze %dma_start3A_164 : memref<1x1x50xi32, #tpu.memory_space<vmem>> -> memref<50xi32, #tpu.memory_space<vmem>>
    %dma_start3A_166 = arith.constant 0 : i32
    %dma_start3A_167 = arith.constant 0 : i32
    %dma_start3A_168 = tpu.memref_slice %arg3[%dma_start3A_166, %dma_start3A_167] : memref<100000x128xf32, #tpu.memory_space<hbm>> -> memref<100000x128xf32, #tpu.memory_space<hbm>>
    tpu.enqueue_indirect_dma source(%dma_start3A_168 : memref<100000x128xf32, #tpu.memory_space<hbm>>) target(%dma_start3A_162 : memref<50x128xf32, #tpu.memory_space<vmem>>) offsets(%dma_start3A_165 : memref<50xi32, #tpu.memory_space<vmem>>) semaphore(%arg20 : memref<!tpu.dma_semaphore, #tpu.memory_space<semaphore_mem>>)
    %dma_start3A_169 = arith.constant 6 : i32
    %dma_start3A_170 = arith.constant 1 : i32
    %dma_start3A_171 = arith.constant 1 : i32
    %dma_start3A_172 = arith.constant 0 : i32
    %dma_start3A_173 = arith.constant 0 : i32
    %dma_start3A_174 = tpu.memref_slice %arg12[%dma_start3A_171, %dma_start3A_172, %dma_start3A_173] : memref<2x50x128xf32, #tpu.memory_space<vmem>> -> memref<1x50x128xf32, #tpu.memory_space<vmem>>
    %dma_start3A_175 = tpu.memref_squeeze %dma_start3A_174 : memref<1x50x128xf32, #tpu.memory_space<vmem>> -> memref<50x128xf32, #tpu.memory_space<vmem>>
    %dma_start3A_176 = arith.constant 0 : i32
    %dma_start3A_177 = tpu.memref_slice %arg5[%dma_start3A_169, %dma_start3A_170, %dma_start3A_176] : memref<64x2x50xi32, #tpu.memory_space<vmem>> -> memref<1x1x50xi32, #tpu.memory_space<vmem>>
    %dma_start3A_178 = tpu.memref_squeeze %dma_start3A_177 : memref<1x1x50xi32, #tpu.memory_space<vmem>> -> memref<50xi32, #tpu.memory_space<vmem>>
    %dma_start3A_179 = arith.constant 0 : i32
    %dma_start3A_180 = arith.constant 0 : i32
    %dma_start3A_181 = tpu.memref_slice %arg3[%dma_start3A_179, %dma_start3A_180] : memref<100000x128xf32, #tpu.memory_space<hbm>> -> memref<100000x128xf32, #tpu.memory_space<hbm>>
    tpu.enqueue_indirect_dma source(%dma_start3A_181 : memref<100000x128xf32, #tpu.memory_space<hbm>>) target(%dma_start3A_175 : memref<50x128xf32, #tpu.memory_space<vmem>>) offsets(%dma_start3A_178 : memref<50xi32, #tpu.memory_space<vmem>>) semaphore(%arg20 : memref<!tpu.dma_semaphore, #tpu.memory_space<semaphore_mem>>)
    %dma_start3A_182 = arith.constant 7 : i32
    %dma_start3A_183 = arith.constant 0 : i32
    %dma_start3A_184 = arith.constant 0 : i32
    %dma_start3A_185 = arith.constant 0 : i32
    %dma_start3A_186 = arith.constant 0 : i32
    %dma_start3A_187 = tpu.memref_slice %arg13[%dma_start3A_184, %dma_start3A_185, %dma_start3A_186] : memref<2x50x128xf32, #tpu.memory_space<vmem>> -> memref<1x50x128xf32, #tpu.memory_space<vmem>>
    %dma_start3A_188 = tpu.memref_squeeze %dma_start3A_187 : memref<1x50x128xf32, #tpu.memory_space<vmem>> -> memref<50x128xf32, #tpu.memory_space<vmem>>
    %dma_start3A_189 = arith.constant 0 : i32
    %dma_start3A_190 = tpu.memref_slice %arg5[%dma_start3A_182, %dma_start3A_183, %dma_start3A_189] : memref<64x2x50xi32, #tpu.memory_space<vmem>> -> memref<1x1x50xi32, #tpu.memory_space<vmem>>
    %dma_start3A_191 = tpu.memref_squeeze %dma_start3A_190 : memref<1x1x50xi32, #tpu.memory_space<vmem>> -> memref<50xi32, #tpu.memory_space<vmem>>
    %dma_start3A_192 = arith.constant 0 : i32
    %dma_start3A_193 = arith.constant 0 : i32
    %dma_start3A_194 = tpu.memref_slice %arg3[%dma_start3A_192, %dma_start3A_193] : memref<100000x128xf32, #tpu.memory_space<hbm>> -> memref<100000x128xf32, #tpu.memory_space<hbm>>
    tpu.enqueue_indirect_dma source(%dma_start3A_194 : memref<100000x128xf32, #tpu.memory_space<hbm>>) target(%dma_start3A_188 : memref<50x128xf32, #tpu.memory_space<vmem>>) offsets(%dma_start3A_191 : memref<50xi32, #tpu.memory_space<vmem>>) semaphore(%arg21 : memref<!tpu.dma_semaphore, #tpu.memory_space<semaphore_mem>>)
    %dma_start3A_195 = arith.constant 7 : i32
    %dma_start3A_196 = arith.constant 1 : i32
    %dma_start3A_197 = arith.constant 1 : i32
    %dma_start3A_198 = arith.constant 0 : i32
    %dma_start3A_199 = arith.constant 0 : i32
    %dma_start3A_200 = tpu.memref_slice %arg13[%dma_start3A_197, %dma_start3A_198, %dma_start3A_199] : memref<2x50x128xf32, #tpu.memory_space<vmem>> -> memref<1x50x128xf32, #tpu.memory_space<vmem>>
    %dma_start3A_201 = tpu.memref_squeeze %dma_start3A_200 : memref<1x50x128xf32, #tpu.memory_space<vmem>> -> memref<50x128xf32, #tpu.memory_space<vmem>>
    %dma_start3A_202 = arith.constant 0 : i32
    %dma_start3A_203 = tpu.memref_slice %arg5[%dma_start3A_195, %dma_start3A_196, %dma_start3A_202] : memref<64x2x50xi32, #tpu.memory_space<vmem>> -> memref<1x1x50xi32, #tpu.memory_space<vmem>>
    %dma_start3A_204 = tpu.memref_squeeze %dma_start3A_203 : memref<1x1x50xi32, #tpu.memory_space<vmem>> -> memref<50xi32, #tpu.memory_space<vmem>>
    %dma_start3A_205 = arith.constant 0 : i32
    %dma_start3A_206 = arith.constant 0 : i32
    %dma_start3A_207 = tpu.memref_slice %arg3[%dma_start3A_205, %dma_start3A_206] : memref<100000x128xf32, #tpu.memory_space<hbm>> -> memref<100000x128xf32, #tpu.memory_space<hbm>>
    tpu.enqueue_indirect_dma source(%dma_start3A_207 : memref<100000x128xf32, #tpu.memory_space<hbm>>) target(%dma_start3A_201 : memref<50x128xf32, #tpu.memory_space<vmem>>) offsets(%dma_start3A_204 : memref<50xi32, #tpu.memory_space<vmem>>) semaphore(%arg21 : memref<!tpu.dma_semaphore, #tpu.memory_space<semaphore_mem>>)
    %scan3A = arith.constant 0 : i32
    %scan3A_208 = arith.constant 0 : i32
    %scan3A_209 = arith.constant 8 : i32
    %scan3A_210 = arith.addi %scan3A_208, %scan3A_209 : i32
    %scan3A_211 = arith.constant 1 : i32
    scf.for %scan3A_213 = %scan3A_208 to %scan3A_210 step %scan3A_211  : i32 {
      %mul3A_214 = arith.constant 8 : i32
      %mul3A_215 = arith.muli %scan3A_213, %mul3A_214 : i32
      %add3A_216 = arith.constant 0 : i32
      %add3A_217 = arith.addi %mul3A_215, %add3A_216 : i32
      %dma_wait3A = arith.constant 0 : i32
      %dma_wait3A_218 = arith.constant 0 : i32
      %dma_wait3A_219 = arith.constant 0 : i32
      %dma_wait3A_220 = arith.constant 0 : i32
      %dma_wait3A_221 = tpu.memref_slice %arg6[%dma_wait3A_218, %dma_wait3A_219, %dma_wait3A_220] : memref<2x50x128xf32, #tpu.memory_space<vmem>> -> memref<1x50x128xf32, #tpu.memory_space<vmem>>
      %dma_wait3A_222 = tpu.memref_squeeze %dma_wait3A_221 : memref<1x50x128xf32, #tpu.memory_space<vmem>> -> memref<50x128xf32, #tpu.memory_space<vmem>>
      %dma_wait3A_223 = arith.constant 0 : i32
      %dma_wait3A_224 = tpu.memref_slice %arg5[%add3A_217, %dma_wait3A, %dma_wait3A_223] : memref<64x2x50xi32, #tpu.memory_space<vmem>> -> memref<1x1x50xi32, #tpu.memory_space<vmem>>
      %dma_wait3A_225 = tpu.memref_squeeze %dma_wait3A_224 : memref<1x1x50xi32, #tpu.memory_space<vmem>> -> memref<50xi32, #tpu.memory_space<vmem>>
      %dma_wait3A_226 = arith.constant 0 : i32
      %dma_wait3A_227 = arith.constant 0 : i32
      %dma_wait3A_228 = tpu.memref_slice %arg3[%dma_wait3A_226, %dma_wait3A_227] : memref<100000x128xf32, #tpu.memory_space<hbm>> -> memref<100000x128xf32, #tpu.memory_space<hbm>>
      tpu.wait_indirect_dma semaphore(%arg14 : memref<!tpu.dma_semaphore, #tpu.memory_space<semaphore_mem>>) src(%dma_wait3A_228 : memref<100000x128xf32, #tpu.memory_space<hbm>>) dst(%dma_wait3A_222 : memref<50x128xf32, #tpu.memory_space<vmem>>)
      %dma_wait3A_229 = arith.constant 1 : i32
      %dma_wait3A_230 = arith.constant 1 : i32
      %dma_wait3A_231 = arith.constant 0 : i32
      %dma_wait3A_232 = arith.constant 0 : i32
      %dma_wait3A_233 = tpu.memref_slice %arg6[%dma_wait3A_230, %dma_wait3A_231, %dma_wait3A_232] : memref<2x50x128xf32, #tpu.memory_space<vmem>> -> memref<1x50x128xf32, #tpu.memory_space<vmem>>
      %dma_wait3A_234 = tpu.memref_squeeze %dma_wait3A_233 : memref<1x50x128xf32, #tpu.memory_space<vmem>> -> memref<50x128xf32, #tpu.memory_space<vmem>>
      %dma_wait3A_235 = arith.constant 0 : i32
      %dma_wait3A_236 = tpu.memref_slice %arg5[%add3A_217, %dma_wait3A_229, %dma_wait3A_235] : memref<64x2x50xi32, #tpu.memory_space<vmem>> -> memref<1x1x50xi32, #tpu.memory_space<vmem>>
      %dma_wait3A_237 = tpu.memref_squeeze %dma_wait3A_236 : memref<1x1x50xi32, #tpu.memory_space<vmem>> -> memref<50xi32, #tpu.memory_space<vmem>>
      %dma_wait3A_238 = arith.constant 0 : i32
      %dma_wait3A_239 = arith.constant 0 : i32
      %dma_wait3A_240 = tpu.memref_slice %arg3[%dma_wait3A_238, %dma_wait3A_239] : memref<100000x128xf32, #tpu.memory_space<hbm>> -> memref<100000x128xf32, #tpu.memory_space<hbm>>
      tpu.wait_indirect_dma semaphore(%arg14 : memref<!tpu.dma_semaphore, #tpu.memory_space<semaphore_mem>>) src(%dma_wait3A_240 : memref<100000x128xf32, #tpu.memory_space<hbm>>) dst(%dma_wait3A_234 : memref<50x128xf32, #tpu.memory_space<vmem>>)
      %mul3A_241 = arith.constant 64 : i32
      %mul3A_242 = arith.muli %add3A, %mul3A_241 : i32
      %add3A_243 = arith.addi %mul3A_242, %add3A_217 : i32
      %mul3A_244 = arith.constant 2 : i32
      %mul3A_245 = arith.muli %add3A_243, %mul3A_244 : i32
      %dma_start3A_246 = arith.constant 0 : i32
      %dma_start3A_247 = arith.constant 0 : i32
      %dma_start3A_248 = tpu.memref_slice %arg4[%mul3A_245, %dma_start3A_246, %dma_start3A_247] : memref<4096x50x128xf32, #tpu.memory_space<hbm>> -> memref<2x50x128xf32, #tpu.memory_space<hbm>>
      %dma_start3A_249 = arith.constant 0 : i32
      %dma_start3A_250 = arith.constant 0 : i32
      %dma_start3A_251 = tpu.memref_slice %arg4[%mul3A_245, %dma_start3A_249, %dma_start3A_250] : memref<4096x50x128xf32, #tpu.memory_space<hbm>> -> memref<2x50x128xf32, #tpu.memory_space<hbm>>
      tpu.enqueue_dma source(%arg6 : memref<2x50x128xf32, #tpu.memory_space<vmem>>) target(%dma_start3A_251 : memref<2x50x128xf32, #tpu.memory_space<hbm>>) target_semaphore(%arg22 : memref<!tpu.dma_semaphore, #tpu.memory_space<semaphore_mem>>)
      %dma_wait3A_252 = arith.constant 0 : i32
      %dma_wait3A_253 = arith.constant 0 : i32
      %dma_wait3A_254 = tpu.memref_slice %arg4[%mul3A_245, %dma_wait3A_252, %dma_wait3A_253] : memref<4096x50x128xf32, #tpu.memory_space<hbm>> -> memref<2x50x128xf32, #tpu.memory_space<hbm>>
      %dma_wait3A_255 = arith.constant 0 : i32
      %dma_wait3A_256 = arith.constant 0 : i32
      %dma_wait3A_257 = tpu.memref_slice %arg4[%mul3A_245, %dma_wait3A_255, %dma_wait3A_256] : memref<4096x50x128xf32, #tpu.memory_space<hbm>> -> memref<2x50x128xf32, #tpu.memory_space<hbm>>
      tpu.wait_dma2 semaphore(%arg22 : memref<!tpu.dma_semaphore, #tpu.memory_space<semaphore_mem>>) src(%arg6 : memref<2x50x128xf32, #tpu.memory_space<vmem>>) dst(%dma_wait3A_257 : memref<2x50x128xf32, #tpu.memory_space<hbm>>)
      %add3A_258 = arith.constant 1 : i32
      %add3A_259 = arith.addi %scan3A_213, %add3A_258 : i32
      %lt3A = arith.constant 8 : i32
      %lt3A_260 = arith.cmpi slt, %add3A_259, %lt3A : i32
      %convert_element_type3A = arith.extui %lt3A_260 : i1 to i32
      %cond3A = arith.constant 0 : i32
      %cond3A_261 = arith.cmpi ne, %convert_element_type3A, %cond3A : i32
      scf.if %cond3A_261 {
        %add3A_626 = arith.constant 8 : i32
        %add3A_627 = arith.addi %add3A_217, %add3A_626 : i32
        %dma_start3A_628 = arith.constant 0 : i32
        %dma_start3A_629 = arith.constant 0 : i32
        %dma_start3A_630 = arith.constant 0 : i32
        %dma_start3A_631 = arith.constant 0 : i32
        %dma_start3A_632 = tpu.memref_slice %arg6[%dma_start3A_629, %dma_start3A_630, %dma_start3A_631] : memref<2x50x128xf32, #tpu.memory_space<vmem>> -> memref<1x50x128xf32, #tpu.memory_space<vmem>>
        %dma_start3A_633 = tpu.memref_squeeze %dma_start3A_632 : memref<1x50x128xf32, #tpu.memory_space<vmem>> -> memref<50x128xf32, #tpu.memory_space<vmem>>
        %dma_start3A_634 = arith.constant 0 : i32
        %dma_start3A_635 = tpu.memref_slice %arg5[%add3A_627, %dma_start3A_628, %dma_start3A_634] : memref<64x2x50xi32, #tpu.memory_space<vmem>> -> memref<1x1x50xi32, #tpu.memory_space<vmem>>
        %dma_start3A_636 = tpu.memref_squeeze %dma_start3A_635 : memref<1x1x50xi32, #tpu.memory_space<vmem>> -> memref<50xi32, #tpu.memory_space<vmem>>
        %dma_start3A_637 = arith.constant 0 : i32
        %dma_start3A_638 = arith.constant 0 : i32
        %dma_start3A_639 = tpu.memref_slice %arg3[%dma_start3A_637, %dma_start3A_638] : memref<100000x128xf32, #tpu.memory_space<hbm>> -> memref<100000x128xf32, #tpu.memory_space<hbm>>
        tpu.enqueue_indirect_dma source(%dma_start3A_639 : memref<100000x128xf32, #tpu.memory_space<hbm>>) target(%dma_start3A_633 : memref<50x128xf32, #tpu.memory_space<vmem>>) offsets(%dma_start3A_636 : memref<50xi32, #tpu.memory_space<vmem>>) semaphore(%arg14 : memref<!tpu.dma_semaphore, #tpu.memory_space<semaphore_mem>>)
        %dma_start3A_640 = arith.constant 1 : i32
        %dma_start3A_641 = arith.constant 1 : i32
        %dma_start3A_642 = arith.constant 0 : i32
        %dma_start3A_643 = arith.constant 0 : i32
        %dma_start3A_644 = tpu.memref_slice %arg6[%dma_start3A_641, %dma_start3A_642, %dma_start3A_643] : memref<2x50x128xf32, #tpu.memory_space<vmem>> -> memref<1x50x128xf32, #tpu.memory_space<vmem>>
        %dma_start3A_645 = tpu.memref_squeeze %dma_start3A_644 : memref<1x50x128xf32, #tpu.memory_space<vmem>> -> memref<50x128xf32, #tpu.memory_space<vmem>>
        %dma_start3A_646 = arith.constant 0 : i32
        %dma_start3A_647 = tpu.memref_slice %arg5[%add3A_627, %dma_start3A_640, %dma_start3A_646] : memref<64x2x50xi32, #tpu.memory_space<vmem>> -> memref<1x1x50xi32, #tpu.memory_space<vmem>>
        %dma_start3A_648 = tpu.memref_squeeze %dma_start3A_647 : memref<1x1x50xi32, #tpu.memory_space<vmem>> -> memref<50xi32, #tpu.memory_space<vmem>>
        %dma_start3A_649 = arith.constant 0 : i32
        %dma_start3A_650 = arith.constant 0 : i32
        %dma_start3A_651 = tpu.memref_slice %arg3[%dma_start3A_649, %dma_start3A_650] : memref<100000x128xf32, #tpu.memory_space<hbm>> -> memref<100000x128xf32, #tpu.memory_space<hbm>>
        tpu.enqueue_indirect_dma source(%dma_start3A_651 : memref<100000x128xf32, #tpu.memory_space<hbm>>) target(%dma_start3A_645 : memref<50x128xf32, #tpu.memory_space<vmem>>) offsets(%dma_start3A_648 : memref<50xi32, #tpu.memory_space<vmem>>) semaphore(%arg14 : memref<!tpu.dma_semaphore, #tpu.memory_space<semaphore_mem>>)
      } else {
      }
      %mul3A_262 = arith.constant 8 : i32
      %mul3A_263 = arith.muli %scan3A_213, %mul3A_262 : i32
      %add3A_264 = arith.constant 1 : i32
      %add3A_265 = arith.addi %mul3A_263, %add3A_264 : i32
      %dma_wait3A_266 = arith.constant 0 : i32
      %dma_wait3A_267 = arith.constant 0 : i32
      %dma_wait3A_268 = arith.constant 0 : i32
      %dma_wait3A_269 = arith.constant 0 : i32
      %dma_wait3A_270 = tpu.memref_slice %arg7[%dma_wait3A_267, %dma_wait3A_268, %dma_wait3A_269] : memref<2x50x128xf32, #tpu.memory_space<vmem>> -> memref<1x50x128xf32, #tpu.memory_space<vmem>>
      %dma_wait3A_271 = tpu.memref_squeeze %dma_wait3A_270 : memref<1x50x128xf32, #tpu.memory_space<vmem>> -> memref<50x128xf32, #tpu.memory_space<vmem>>
      %dma_wait3A_272 = arith.constant 0 : i32
      %dma_wait3A_273 = tpu.memref_slice %arg5[%add3A_265, %dma_wait3A_266, %dma_wait3A_272] : memref<64x2x50xi32, #tpu.memory_space<vmem>> -> memref<1x1x50xi32, #tpu.memory_space<vmem>>
      %dma_wait3A_274 = tpu.memref_squeeze %dma_wait3A_273 : memref<1x1x50xi32, #tpu.memory_space<vmem>> -> memref<50xi32, #tpu.memory_space<vmem>>
      %dma_wait3A_275 = arith.constant 0 : i32
      %dma_wait3A_276 = arith.constant 0 : i32
      %dma_wait3A_277 = tpu.memref_slice %arg3[%dma_wait3A_275, %dma_wait3A_276] : memref<100000x128xf32, #tpu.memory_space<hbm>> -> memref<100000x128xf32, #tpu.memory_space<hbm>>
      tpu.wait_indirect_dma semaphore(%arg15 : memref<!tpu.dma_semaphore, #tpu.memory_space<semaphore_mem>>) src(%dma_wait3A_277 : memref<100000x128xf32, #tpu.memory_space<hbm>>) dst(%dma_wait3A_271 : memref<50x128xf32, #tpu.memory_space<vmem>>)
      %dma_wait3A_278 = arith.constant 1 : i32
      %dma_wait3A_279 = arith.constant 1 : i32
      %dma_wait3A_280 = arith.constant 0 : i32
      %dma_wait3A_281 = arith.constant 0 : i32
      %dma_wait3A_282 = tpu.memref_slice %arg7[%dma_wait3A_279, %dma_wait3A_280, %dma_wait3A_281] : memref<2x50x128xf32, #tpu.memory_space<vmem>> -> memref<1x50x128xf32, #tpu.memory_space<vmem>>
      %dma_wait3A_283 = tpu.memref_squeeze %dma_wait3A_282 : memref<1x50x128xf32, #tpu.memory_space<vmem>> -> memref<50x128xf32, #tpu.memory_space<vmem>>
      %dma_wait3A_284 = arith.constant 0 : i32
      %dma_wait3A_285 = tpu.memref_slice %arg5[%add3A_265, %dma_wait3A_278, %dma_wait3A_284] : memref<64x2x50xi32, #tpu.memory_space<vmem>> -> memref<1x1x50xi32, #tpu.memory_space<vmem>>
      %dma_wait3A_286 = tpu.memref_squeeze %dma_wait3A_285 : memref<1x1x50xi32, #tpu.memory_space<vmem>> -> memref<50xi32, #tpu.memory_space<vmem>>
      %dma_wait3A_287 = arith.constant 0 : i32
      %dma_wait3A_288 = arith.constant 0 : i32
      %dma_wait3A_289 = tpu.memref_slice %arg3[%dma_wait3A_287, %dma_wait3A_288] : memref<100000x128xf32, #tpu.memory_space<hbm>> -> memref<100000x128xf32, #tpu.memory_space<hbm>>
      tpu.wait_indirect_dma semaphore(%arg15 : memref<!tpu.dma_semaphore, #tpu.memory_space<semaphore_mem>>) src(%dma_wait3A_289 : memref<100000x128xf32, #tpu.memory_space<hbm>>) dst(%dma_wait3A_283 : memref<50x128xf32, #tpu.memory_space<vmem>>)
      %mul3A_290 = arith.constant 64 : i32
      %mul3A_291 = arith.muli %add3A, %mul3A_290 : i32
      %add3A_292 = arith.addi %mul3A_291, %add3A_265 : i32
      %mul3A_293 = arith.constant 2 : i32
      %mul3A_294 = arith.muli %add3A_292, %mul3A_293 : i32
      %dma_start3A_295 = arith.constant 0 : i32
      %dma_start3A_296 = arith.constant 0 : i32
      %dma_start3A_297 = tpu.memref_slice %arg4[%mul3A_294, %dma_start3A_295, %dma_start3A_296] : memref<4096x50x128xf32, #tpu.memory_space<hbm>> -> memref<2x50x128xf32, #tpu.memory_space<hbm>>
      %dma_start3A_298 = arith.constant 0 : i32
      %dma_start3A_299 = arith.constant 0 : i32
      %dma_start3A_300 = tpu.memref_slice %arg4[%mul3A_294, %dma_start3A_298, %dma_start3A_299] : memref<4096x50x128xf32, #tpu.memory_space<hbm>> -> memref<2x50x128xf32, #tpu.memory_space<hbm>>
      tpu.enqueue_dma source(%arg7 : memref<2x50x128xf32, #tpu.memory_space<vmem>>) target(%dma_start3A_300 : memref<2x50x128xf32, #tpu.memory_space<hbm>>) target_semaphore(%arg23 : memref<!tpu.dma_semaphore, #tpu.memory_space<semaphore_mem>>)
      %dma_wait3A_301 = arith.constant 0 : i32
      %dma_wait3A_302 = arith.constant 0 : i32
      %dma_wait3A_303 = tpu.memref_slice %arg4[%mul3A_294, %dma_wait3A_301, %dma_wait3A_302] : memref<4096x50x128xf32, #tpu.memory_space<hbm>> -> memref<2x50x128xf32, #tpu.memory_space<hbm>>
      %dma_wait3A_304 = arith.constant 0 : i32
      %dma_wait3A_305 = arith.constant 0 : i32
      %dma_wait3A_306 = tpu.memref_slice %arg4[%mul3A_294, %dma_wait3A_304, %dma_wait3A_305] : memref<4096x50x128xf32, #tpu.memory_space<hbm>> -> memref<2x50x128xf32, #tpu.memory_space<hbm>>
      tpu.wait_dma2 semaphore(%arg23 : memref<!tpu.dma_semaphore, #tpu.memory_space<semaphore_mem>>) src(%arg7 : memref<2x50x128xf32, #tpu.memory_space<vmem>>) dst(%dma_wait3A_306 : memref<2x50x128xf32, #tpu.memory_space<hbm>>)
      %add3A_307 = arith.constant 1 : i32
      %add3A_308 = arith.addi %scan3A_213, %add3A_307 : i32
      %lt3A_309 = arith.constant 8 : i32
      %lt3A_310 = arith.cmpi slt, %add3A_308, %lt3A_309 : i32
      %convert_element_type3A_311 = arith.extui %lt3A_310 : i1 to i32
      %cond3A_312 = arith.constant 0 : i32
      %cond3A_313 = arith.cmpi ne, %convert_element_type3A_311, %cond3A_312 : i32
      scf.if %cond3A_313 {
        %add3A_626 = arith.constant 8 : i32
        %add3A_627 = arith.addi %add3A_265, %add3A_626 : i32
        %dma_start3A_628 = arith.constant 0 : i32
        %dma_start3A_629 = arith.constant 0 : i32
        %dma_start3A_630 = arith.constant 0 : i32
        %dma_start3A_631 = arith.constant 0 : i32
        %dma_start3A_632 = tpu.memref_slice %arg7[%dma_start3A_629, %dma_start3A_630, %dma_start3A_631] : memref<2x50x128xf32, #tpu.memory_space<vmem>> -> memref<1x50x128xf32, #tpu.memory_space<vmem>>
        %dma_start3A_633 = tpu.memref_squeeze %dma_start3A_632 : memref<1x50x128xf32, #tpu.memory_space<vmem>> -> memref<50x128xf32, #tpu.memory_space<vmem>>
        %dma_start3A_634 = arith.constant 0 : i32
        %dma_start3A_635 = tpu.memref_slice %arg5[%add3A_627, %dma_start3A_628, %dma_start3A_634] : memref<64x2x50xi32, #tpu.memory_space<vmem>> -> memref<1x1x50xi32, #tpu.memory_space<vmem>>
        %dma_start3A_636 = tpu.memref_squeeze %dma_start3A_635 : memref<1x1x50xi32, #tpu.memory_space<vmem>> -> memref<50xi32, #tpu.memory_space<vmem>>
        %dma_start3A_637 = arith.constant 0 : i32
        %dma_start3A_638 = arith.constant 0 : i32
        %dma_start3A_639 = tpu.memref_slice %arg3[%dma_start3A_637, %dma_start3A_638] : memref<100000x128xf32, #tpu.memory_space<hbm>> -> memref<100000x128xf32, #tpu.memory_space<hbm>>
        tpu.enqueue_indirect_dma source(%dma_start3A_639 : memref<100000x128xf32, #tpu.memory_space<hbm>>) target(%dma_start3A_633 : memref<50x128xf32, #tpu.memory_space<vmem>>) offsets(%dma_start3A_636 : memref<50xi32, #tpu.memory_space<vmem>>) semaphore(%arg15 : memref<!tpu.dma_semaphore, #tpu.memory_space<semaphore_mem>>)
        %dma_start3A_640 = arith.constant 1 : i32
        %dma_start3A_641 = arith.constant 1 : i32
        %dma_start3A_642 = arith.constant 0 : i32
        %dma_start3A_643 = arith.constant 0 : i32
        %dma_start3A_644 = tpu.memref_slice %arg7[%dma_start3A_641, %dma_start3A_642, %dma_start3A_643] : memref<2x50x128xf32, #tpu.memory_space<vmem>> -> memref<1x50x128xf32, #tpu.memory_space<vmem>>
        %dma_start3A_645 = tpu.memref_squeeze %dma_start3A_644 : memref<1x50x128xf32, #tpu.memory_space<vmem>> -> memref<50x128xf32, #tpu.memory_space<vmem>>
        %dma_start3A_646 = arith.constant 0 : i32
        %dma_start3A_647 = tpu.memref_slice %arg5[%add3A_627, %dma_start3A_640, %dma_start3A_646] : memref<64x2x50xi32, #tpu.memory_space<vmem>> -> memref<1x1x50xi32, #tpu.memory_space<vmem>>
        %dma_start3A_648 = tpu.memref_squeeze %dma_start3A_647 : memref<1x1x50xi32, #tpu.memory_space<vmem>> -> memref<50xi32, #tpu.memory_space<vmem>>
        %dma_start3A_649 = arith.constant 0 : i32
        %dma_start3A_650 = arith.constant 0 : i32
        %dma_start3A_651 = tpu.memref_slice %arg3[%dma_start3A_649, %dma_start3A_650] : memref<100000x128xf32, #tpu.memory_space<hbm>> -> memref<100000x128xf32, #tpu.memory_space<hbm>>
        tpu.enqueue_indirect_dma source(%dma_start3A_651 : memref<100000x128xf32, #tpu.memory_space<hbm>>) target(%dma_start3A_645 : memref<50x128xf32, #tpu.memory_space<vmem>>) offsets(%dma_start3A_648 : memref<50xi32, #tpu.memory_space<vmem>>) semaphore(%arg15 : memref<!tpu.dma_semaphore, #tpu.memory_space<semaphore_mem>>)
      } else {
      }
      %mul3A_314 = arith.constant 8 : i32
      %mul3A_315 = arith.muli %scan3A_213, %mul3A_314 : i32
      %add3A_316 = arith.constant 2 : i32
      %add3A_317 = arith.addi %mul3A_315, %add3A_316 : i32
      %dma_wait3A_318 = arith.constant 0 : i32
      %dma_wait3A_319 = arith.constant 0 : i32
      %dma_wait3A_320 = arith.constant 0 : i32
      %dma_wait3A_321 = arith.constant 0 : i32
      %dma_wait3A_322 = tpu.memref_slice %arg8[%dma_wait3A_319, %dma_wait3A_320, %dma_wait3A_321] : memref<2x50x128xf32, #tpu.memory_space<vmem>> -> memref<1x50x128xf32, #tpu.memory_space<vmem>>
      %dma_wait3A_323 = tpu.memref_squeeze %dma_wait3A_322 : memref<1x50x128xf32, #tpu.memory_space<vmem>> -> memref<50x128xf32, #tpu.memory_space<vmem>>
      %dma_wait3A_324 = arith.constant 0 : i32
      %dma_wait3A_325 = tpu.memref_slice %arg5[%add3A_317, %dma_wait3A_318, %dma_wait3A_324] : memref<64x2x50xi32, #tpu.memory_space<vmem>> -> memref<1x1x50xi32, #tpu.memory_space<vmem>>
      %dma_wait3A_326 = tpu.memref_squeeze %dma_wait3A_325 : memref<1x1x50xi32, #tpu.memory_space<vmem>> -> memref<50xi32, #tpu.memory_space<vmem>>
      %dma_wait3A_327 = arith.constant 0 : i32
      %dma_wait3A_328 = arith.constant 0 : i32
      %dma_wait3A_329 = tpu.memref_slice %arg3[%dma_wait3A_327, %dma_wait3A_328] : memref<100000x128xf32, #tpu.memory_space<hbm>> -> memref<100000x128xf32, #tpu.memory_space<hbm>>
      tpu.wait_indirect_dma semaphore(%arg16 : memref<!tpu.dma_semaphore, #tpu.memory_space<semaphore_mem>>) src(%dma_wait3A_329 : memref<100000x128xf32, #tpu.memory_space<hbm>>) dst(%dma_wait3A_323 : memref<50x128xf32, #tpu.memory_space<vmem>>)
      %dma_wait3A_330 = arith.constant 1 : i32
      %dma_wait3A_331 = arith.constant 1 : i32
      %dma_wait3A_332 = arith.constant 0 : i32
      %dma_wait3A_333 = arith.constant 0 : i32
      %dma_wait3A_334 = tpu.memref_slice %arg8[%dma_wait3A_331, %dma_wait3A_332, %dma_wait3A_333] : memref<2x50x128xf32, #tpu.memory_space<vmem>> -> memref<1x50x128xf32, #tpu.memory_space<vmem>>
      %dma_wait3A_335 = tpu.memref_squeeze %dma_wait3A_334 : memref<1x50x128xf32, #tpu.memory_space<vmem>> -> memref<50x128xf32, #tpu.memory_space<vmem>>
      %dma_wait3A_336 = arith.constant 0 : i32
      %dma_wait3A_337 = tpu.memref_slice %arg5[%add3A_317, %dma_wait3A_330, %dma_wait3A_336] : memref<64x2x50xi32, #tpu.memory_space<vmem>> -> memref<1x1x50xi32, #tpu.memory_space<vmem>>
      %dma_wait3A_338 = tpu.memref_squeeze %dma_wait3A_337 : memref<1x1x50xi32, #tpu.memory_space<vmem>> -> memref<50xi32, #tpu.memory_space<vmem>>
      %dma_wait3A_339 = arith.constant 0 : i32
      %dma_wait3A_340 = arith.constant 0 : i32
      %dma_wait3A_341 = tpu.memref_slice %arg3[%dma_wait3A_339, %dma_wait3A_340] : memref<100000x128xf32, #tpu.memory_space<hbm>> -> memref<100000x128xf32, #tpu.memory_space<hbm>>
      tpu.wait_indirect_dma semaphore(%arg16 : memref<!tpu.dma_semaphore, #tpu.memory_space<semaphore_mem>>) src(%dma_wait3A_341 : memref<100000x128xf32, #tpu.memory_space<hbm>>) dst(%dma_wait3A_335 : memref<50x128xf32, #tpu.memory_space<vmem>>)
      %mul3A_342 = arith.constant 64 : i32
      %mul3A_343 = arith.muli %add3A, %mul3A_342 : i32
      %add3A_344 = arith.addi %mul3A_343, %add3A_317 : i32
      %mul3A_345 = arith.constant 2 : i32
      %mul3A_346 = arith.muli %add3A_344, %mul3A_345 : i32
      %dma_start3A_347 = arith.constant 0 : i32
      %dma_start3A_348 = arith.constant 0 : i32
      %dma_start3A_349 = tpu.memref_slice %arg4[%mul3A_346, %dma_start3A_347, %dma_start3A_348] : memref<4096x50x128xf32, #tpu.memory_space<hbm>> -> memref<2x50x128xf32, #tpu.memory_space<hbm>>
      %dma_start3A_350 = arith.constant 0 : i32
      %dma_start3A_351 = arith.constant 0 : i32
      %dma_start3A_352 = tpu.memref_slice %arg4[%mul3A_346, %dma_start3A_350, %dma_start3A_351] : memref<4096x50x128xf32, #tpu.memory_space<hbm>> -> memref<2x50x128xf32, #tpu.memory_space<hbm>>
      tpu.enqueue_dma source(%arg8 : memref<2x50x128xf32, #tpu.memory_space<vmem>>) target(%dma_start3A_352 : memref<2x50x128xf32, #tpu.memory_space<hbm>>) target_semaphore(%arg24 : memref<!tpu.dma_semaphore, #tpu.memory_space<semaphore_mem>>)
      %dma_wait3A_353 = arith.constant 0 : i32
      %dma_wait3A_354 = arith.constant 0 : i32
      %dma_wait3A_355 = tpu.memref_slice %arg4[%mul3A_346, %dma_wait3A_353, %dma_wait3A_354] : memref<4096x50x128xf32, #tpu.memory_space<hbm>> -> memref<2x50x128xf32, #tpu.memory_space<hbm>>
      %dma_wait3A_356 = arith.constant 0 : i32
      %dma_wait3A_357 = arith.constant 0 : i32
      %dma_wait3A_358 = tpu.memref_slice %arg4[%mul3A_346, %dma_wait3A_356, %dma_wait3A_357] : memref<4096x50x128xf32, #tpu.memory_space<hbm>> -> memref<2x50x128xf32, #tpu.memory_space<hbm>>
      tpu.wait_dma2 semaphore(%arg24 : memref<!tpu.dma_semaphore, #tpu.memory_space<semaphore_mem>>) src(%arg8 : memref<2x50x128xf32, #tpu.memory_space<vmem>>) dst(%dma_wait3A_358 : memref<2x50x128xf32, #tpu.memory_space<hbm>>)
      %add3A_359 = arith.constant 1 : i32
      %add3A_360 = arith.addi %scan3A_213, %add3A_359 : i32
      %lt3A_361 = arith.constant 8 : i32
      %lt3A_362 = arith.cmpi slt, %add3A_360, %lt3A_361 : i32
      %convert_element_type3A_363 = arith.extui %lt3A_362 : i1 to i32
      %cond3A_364 = arith.constant 0 : i32
      %cond3A_365 = arith.cmpi ne, %convert_element_type3A_363, %cond3A_364 : i32
      scf.if %cond3A_365 {
        %add3A_626 = arith.constant 8 : i32
        %add3A_627 = arith.addi %add3A_317, %add3A_626 : i32
        %dma_start3A_628 = arith.constant 0 : i32
        %dma_start3A_629 = arith.constant 0 : i32
        %dma_start3A_630 = arith.constant 0 : i32
        %dma_start3A_631 = arith.constant 0 : i32
        %dma_start3A_632 = tpu.memref_slice %arg8[%dma_start3A_629, %dma_start3A_630, %dma_start3A_631] : memref<2x50x128xf32, #tpu.memory_space<vmem>> -> memref<1x50x128xf32, #tpu.memory_space<vmem>>
        %dma_start3A_633 = tpu.memref_squeeze %dma_start3A_632 : memref<1x50x128xf32, #tpu.memory_space<vmem>> -> memref<50x128xf32, #tpu.memory_space<vmem>>
        %dma_start3A_634 = arith.constant 0 : i32
        %dma_start3A_635 = tpu.memref_slice %arg5[%add3A_627, %dma_start3A_628, %dma_start3A_634] : memref<64x2x50xi32, #tpu.memory_space<vmem>> -> memref<1x1x50xi32, #tpu.memory_space<vmem>>
        %dma_start3A_636 = tpu.memref_squeeze %dma_start3A_635 : memref<1x1x50xi32, #tpu.memory_space<vmem>> -> memref<50xi32, #tpu.memory_space<vmem>>
        %dma_start3A_637 = arith.constant 0 : i32
        %dma_start3A_638 = arith.constant 0 : i32
        %dma_start3A_639 = tpu.memref_slice %arg3[%dma_start3A_637, %dma_start3A_638] : memref<100000x128xf32, #tpu.memory_space<hbm>> -> memref<100000x128xf32, #tpu.memory_space<hbm>>
        tpu.enqueue_indirect_dma source(%dma_start3A_639 : memref<100000x128xf32, #tpu.memory_space<hbm>>) target(%dma_start3A_633 : memref<50x128xf32, #tpu.memory_space<vmem>>) offsets(%dma_start3A_636 : memref<50xi32, #tpu.memory_space<vmem>>) semaphore(%arg16 : memref<!tpu.dma_semaphore, #tpu.memory_space<semaphore_mem>>)
        %dma_start3A_640 = arith.constant 1 : i32
        %dma_start3A_641 = arith.constant 1 : i32
        %dma_start3A_642 = arith.constant 0 : i32
        %dma_start3A_643 = arith.constant 0 : i32
        %dma_start3A_644 = tpu.memref_slice %arg8[%dma_start3A_641, %dma_start3A_642, %dma_start3A_643] : memref<2x50x128xf32, #tpu.memory_space<vmem>> -> memref<1x50x128xf32, #tpu.memory_space<vmem>>
        %dma_start3A_645 = tpu.memref_squeeze %dma_start3A_644 : memref<1x50x128xf32, #tpu.memory_space<vmem>> -> memref<50x128xf32, #tpu.memory_space<vmem>>
        %dma_start3A_646 = arith.constant 0 : i32
        %dma_start3A_647 = tpu.memref_slice %arg5[%add3A_627, %dma_start3A_640, %dma_start3A_646] : memref<64x2x50xi32, #tpu.memory_space<vmem>> -> memref<1x1x50xi32, #tpu.memory_space<vmem>>
        %dma_start3A_648 = tpu.memref_squeeze %dma_start3A_647 : memref<1x1x50xi32, #tpu.memory_space<vmem>> -> memref<50xi32, #tpu.memory_space<vmem>>
        %dma_start3A_649 = arith.constant 0 : i32
        %dma_start3A_650 = arith.constant 0 : i32
        %dma_start3A_651 = tpu.memref_slice %arg3[%dma_start3A_649, %dma_start3A_650] : memref<100000x128xf32, #tpu.memory_space<hbm>> -> memref<100000x128xf32, #tpu.memory_space<hbm>>
        tpu.enqueue_indirect_dma source(%dma_start3A_651 : memref<100000x128xf32, #tpu.memory_space<hbm>>) target(%dma_start3A_645 : memref<50x128xf32, #tpu.memory_space<vmem>>) offsets(%dma_start3A_648 : memref<50xi32, #tpu.memory_space<vmem>>) semaphore(%arg16 : memref<!tpu.dma_semaphore, #tpu.memory_space<semaphore_mem>>)
      } else {
      }
      %mul3A_366 = arith.constant 8 : i32
      %mul3A_367 = arith.muli %scan3A_213, %mul3A_366 : i32
      %add3A_368 = arith.constant 3 : i32
      %add3A_369 = arith.addi %mul3A_367, %add3A_368 : i32
      %dma_wait3A_370 = arith.constant 0 : i32
      %dma_wait3A_371 = arith.constant 0 : i32
      %dma_wait3A_372 = arith.constant 0 : i32
      %dma_wait3A_373 = arith.constant 0 : i32
      %dma_wait3A_374 = tpu.memref_slice %arg9[%dma_wait3A_371, %dma_wait3A_372, %dma_wait3A_373] : memref<2x50x128xf32, #tpu.memory_space<vmem>> -> memref<1x50x128xf32, #tpu.memory_space<vmem>>
      %dma_wait3A_375 = tpu.memref_squeeze %dma_wait3A_374 : memref<1x50x128xf32, #tpu.memory_space<vmem>> -> memref<50x128xf32, #tpu.memory_space<vmem>>
      %dma_wait3A_376 = arith.constant 0 : i32
      %dma_wait3A_377 = tpu.memref_slice %arg5[%add3A_369, %dma_wait3A_370, %dma_wait3A_376] : memref<64x2x50xi32, #tpu.memory_space<vmem>> -> memref<1x1x50xi32, #tpu.memory_space<vmem>>
      %dma_wait3A_378 = tpu.memref_squeeze %dma_wait3A_377 : memref<1x1x50xi32, #tpu.memory_space<vmem>> -> memref<50xi32, #tpu.memory_space<vmem>>
      %dma_wait3A_379 = arith.constant 0 : i32
      %dma_wait3A_380 = arith.constant 0 : i32
      %dma_wait3A_381 = tpu.memref_slice %arg3[%dma_wait3A_379, %dma_wait3A_380] : memref<100000x128xf32, #tpu.memory_space<hbm>> -> memref<100000x128xf32, #tpu.memory_space<hbm>>
      tpu.wait_indirect_dma semaphore(%arg17 : memref<!tpu.dma_semaphore, #tpu.memory_space<semaphore_mem>>) src(%dma_wait3A_381 : memref<100000x128xf32, #tpu.memory_space<hbm>>) dst(%dma_wait3A_375 : memref<50x128xf32, #tpu.memory_space<vmem>>)
      %dma_wait3A_382 = arith.constant 1 : i32
      %dma_wait3A_383 = arith.constant 1 : i32
      %dma_wait3A_384 = arith.constant 0 : i32
      %dma_wait3A_385 = arith.constant 0 : i32
      %dma_wait3A_386 = tpu.memref_slice %arg9[%dma_wait3A_383, %dma_wait3A_384, %dma_wait3A_385] : memref<2x50x128xf32, #tpu.memory_space<vmem>> -> memref<1x50x128xf32, #tpu.memory_space<vmem>>
      %dma_wait3A_387 = tpu.memref_squeeze %dma_wait3A_386 : memref<1x50x128xf32, #tpu.memory_space<vmem>> -> memref<50x128xf32, #tpu.memory_space<vmem>>
      %dma_wait3A_388 = arith.constant 0 : i32
      %dma_wait3A_389 = tpu.memref_slice %arg5[%add3A_369, %dma_wait3A_382, %dma_wait3A_388] : memref<64x2x50xi32, #tpu.memory_space<vmem>> -> memref<1x1x50xi32, #tpu.memory_space<vmem>>
      %dma_wait3A_390 = tpu.memref_squeeze %dma_wait3A_389 : memref<1x1x50xi32, #tpu.memory_space<vmem>> -> memref<50xi32, #tpu.memory_space<vmem>>
      %dma_wait3A_391 = arith.constant 0 : i32
      %dma_wait3A_392 = arith.constant 0 : i32
      %dma_wait3A_393 = tpu.memref_slice %arg3[%dma_wait3A_391, %dma_wait3A_392] : memref<100000x128xf32, #tpu.memory_space<hbm>> -> memref<100000x128xf32, #tpu.memory_space<hbm>>
      tpu.wait_indirect_dma semaphore(%arg17 : memref<!tpu.dma_semaphore, #tpu.memory_space<semaphore_mem>>) src(%dma_wait3A_393 : memref<100000x128xf32, #tpu.memory_space<hbm>>) dst(%dma_wait3A_387 : memref<50x128xf32, #tpu.memory_space<vmem>>)
      %mul3A_394 = arith.constant 64 : i32
      %mul3A_395 = arith.muli %add3A, %mul3A_394 : i32
      %add3A_396 = arith.addi %mul3A_395, %add3A_369 : i32
      %mul3A_397 = arith.constant 2 : i32
      %mul3A_398 = arith.muli %add3A_396, %mul3A_397 : i32
      %dma_start3A_399 = arith.constant 0 : i32
      %dma_start3A_400 = arith.constant 0 : i32
      %dma_start3A_401 = tpu.memref_slice %arg4[%mul3A_398, %dma_start3A_399, %dma_start3A_400] : memref<4096x50x128xf32, #tpu.memory_space<hbm>> -> memref<2x50x128xf32, #tpu.memory_space<hbm>>
      %dma_start3A_402 = arith.constant 0 : i32
      %dma_start3A_403 = arith.constant 0 : i32
      %dma_start3A_404 = tpu.memref_slice %arg4[%mul3A_398, %dma_start3A_402, %dma_start3A_403] : memref<4096x50x128xf32, #tpu.memory_space<hbm>> -> memref<2x50x128xf32, #tpu.memory_space<hbm>>
      tpu.enqueue_dma source(%arg9 : memref<2x50x128xf32, #tpu.memory_space<vmem>>) target(%dma_start3A_404 : memref<2x50x128xf32, #tpu.memory_space<hbm>>) target_semaphore(%arg25 : memref<!tpu.dma_semaphore, #tpu.memory_space<semaphore_mem>>)
      %dma_wait3A_405 = arith.constant 0 : i32
      %dma_wait3A_406 = arith.constant 0 : i32
      %dma_wait3A_407 = tpu.memref_slice %arg4[%mul3A_398, %dma_wait3A_405, %dma_wait3A_406] : memref<4096x50x128xf32, #tpu.memory_space<hbm>> -> memref<2x50x128xf32, #tpu.memory_space<hbm>>
      %dma_wait3A_408 = arith.constant 0 : i32
      %dma_wait3A_409 = arith.constant 0 : i32
      %dma_wait3A_410 = tpu.memref_slice %arg4[%mul3A_398, %dma_wait3A_408, %dma_wait3A_409] : memref<4096x50x128xf32, #tpu.memory_space<hbm>> -> memref<2x50x128xf32, #tpu.memory_space<hbm>>
      tpu.wait_dma2 semaphore(%arg25 : memref<!tpu.dma_semaphore, #tpu.memory_space<semaphore_mem>>) src(%arg9 : memref<2x50x128xf32, #tpu.memory_space<vmem>>) dst(%dma_wait3A_410 : memref<2x50x128xf32, #tpu.memory_space<hbm>>)
      %add3A_411 = arith.constant 1 : i32
      %add3A_412 = arith.addi %scan3A_213, %add3A_411 : i32
      %lt3A_413 = arith.constant 8 : i32
      %lt3A_414 = arith.cmpi slt, %add3A_412, %lt3A_413 : i32
      %convert_element_type3A_415 = arith.extui %lt3A_414 : i1 to i32
      %cond3A_416 = arith.constant 0 : i32
      %cond3A_417 = arith.cmpi ne, %convert_element_type3A_415, %cond3A_416 : i32
      scf.if %cond3A_417 {
        %add3A_626 = arith.constant 8 : i32
        %add3A_627 = arith.addi %add3A_369, %add3A_626 : i32
        %dma_start3A_628 = arith.constant 0 : i32
        %dma_start3A_629 = arith.constant 0 : i32
        %dma_start3A_630 = arith.constant 0 : i32
        %dma_start3A_631 = arith.constant 0 : i32
        %dma_start3A_632 = tpu.memref_slice %arg9[%dma_start3A_629, %dma_start3A_630, %dma_start3A_631] : memref<2x50x128xf32, #tpu.memory_space<vmem>> -> memref<1x50x128xf32, #tpu.memory_space<vmem>>
        %dma_start3A_633 = tpu.memref_squeeze %dma_start3A_632 : memref<1x50x128xf32, #tpu.memory_space<vmem>> -> memref<50x128xf32, #tpu.memory_space<vmem>>
        %dma_start3A_634 = arith.constant 0 : i32
        %dma_start3A_635 = tpu.memref_slice %arg5[%add3A_627, %dma_start3A_628, %dma_start3A_634] : memref<64x2x50xi32, #tpu.memory_space<vmem>> -> memref<1x1x50xi32, #tpu.memory_space<vmem>>
        %dma_start3A_636 = tpu.memref_squeeze %dma_start3A_635 : memref<1x1x50xi32, #tpu.memory_space<vmem>> -> memref<50xi32, #tpu.memory_space<vmem>>
        %dma_start3A_637 = arith.constant 0 : i32
        %dma_start3A_638 = arith.constant 0 : i32
        %dma_start3A_639 = tpu.memref_slice %arg3[%dma_start3A_637, %dma_start3A_638] : memref<100000x128xf32, #tpu.memory_space<hbm>> -> memref<100000x128xf32, #tpu.memory_space<hbm>>
        tpu.enqueue_indirect_dma source(%dma_start3A_639 : memref<100000x128xf32, #tpu.memory_space<hbm>>) target(%dma_start3A_633 : memref<50x128xf32, #tpu.memory_space<vmem>>) offsets(%dma_start3A_636 : memref<50xi32, #tpu.memory_space<vmem>>) semaphore(%arg17 : memref<!tpu.dma_semaphore, #tpu.memory_space<semaphore_mem>>)
        %dma_start3A_640 = arith.constant 1 : i32
        %dma_start3A_641 = arith.constant 1 : i32
        %dma_start3A_642 = arith.constant 0 : i32
        %dma_start3A_643 = arith.constant 0 : i32
        %dma_start3A_644 = tpu.memref_slice %arg9[%dma_start3A_641, %dma_start3A_642, %dma_start3A_643] : memref<2x50x128xf32, #tpu.memory_space<vmem>> -> memref<1x50x128xf32, #tpu.memory_space<vmem>>
        %dma_start3A_645 = tpu.memref_squeeze %dma_start3A_644 : memref<1x50x128xf32, #tpu.memory_space<vmem>> -> memref<50x128xf32, #tpu.memory_space<vmem>>
        %dma_start3A_646 = arith.constant 0 : i32
        %dma_start3A_647 = tpu.memref_slice %arg5[%add3A_627, %dma_start3A_640, %dma_start3A_646] : memref<64x2x50xi32, #tpu.memory_space<vmem>> -> memref<1x1x50xi32, #tpu.memory_space<vmem>>
        %dma_start3A_648 = tpu.memref_squeeze %dma_start3A_647 : memref<1x1x50xi32, #tpu.memory_space<vmem>> -> memref<50xi32, #tpu.memory_space<vmem>>
        %dma_start3A_649 = arith.constant 0 : i32
        %dma_start3A_650 = arith.constant 0 : i32
        %dma_start3A_651 = tpu.memref_slice %arg3[%dma_start3A_649, %dma_start3A_650] : memref<100000x128xf32, #tpu.memory_space<hbm>> -> memref<100000x128xf32, #tpu.memory_space<hbm>>
        tpu.enqueue_indirect_dma source(%dma_start3A_651 : memref<100000x128xf32, #tpu.memory_space<hbm>>) target(%dma_start3A_645 : memref<50x128xf32, #tpu.memory_space<vmem>>) offsets(%dma_start3A_648 : memref<50xi32, #tpu.memory_space<vmem>>) semaphore(%arg17 : memref<!tpu.dma_semaphore, #tpu.memory_space<semaphore_mem>>)
      } else {
      }
      %mul3A_418 = arith.constant 8 : i32
      %mul3A_419 = arith.muli %scan3A_213, %mul3A_418 : i32
      %add3A_420 = arith.constant 4 : i32
      %add3A_421 = arith.addi %mul3A_419, %add3A_420 : i32
      %dma_wait3A_422 = arith.constant 0 : i32
      %dma_wait3A_423 = arith.constant 0 : i32
      %dma_wait3A_424 = arith.constant 0 : i32
      %dma_wait3A_425 = arith.constant 0 : i32
      %dma_wait3A_426 = tpu.memref_slice %arg10[%dma_wait3A_423, %dma_wait3A_424, %dma_wait3A_425] : memref<2x50x128xf32, #tpu.memory_space<vmem>> -> memref<1x50x128xf32, #tpu.memory_space<vmem>>
      %dma_wait3A_427 = tpu.memref_squeeze %dma_wait3A_426 : memref<1x50x128xf32, #tpu.memory_space<vmem>> -> memref<50x128xf32, #tpu.memory_space<vmem>>
      %dma_wait3A_428 = arith.constant 0 : i32
      %dma_wait3A_429 = tpu.memref_slice %arg5[%add3A_421, %dma_wait3A_422, %dma_wait3A_428] : memref<64x2x50xi32, #tpu.memory_space<vmem>> -> memref<1x1x50xi32, #tpu.memory_space<vmem>>
      %dma_wait3A_430 = tpu.memref_squeeze %dma_wait3A_429 : memref<1x1x50xi32, #tpu.memory_space<vmem>> -> memref<50xi32, #tpu.memory_space<vmem>>
      %dma_wait3A_431 = arith.constant 0 : i32
      %dma_wait3A_432 = arith.constant 0 : i32
      %dma_wait3A_433 = tpu.memref_slice %arg3[%dma_wait3A_431, %dma_wait3A_432] : memref<100000x128xf32, #tpu.memory_space<hbm>> -> memref<100000x128xf32, #tpu.memory_space<hbm>>
      tpu.wait_indirect_dma semaphore(%arg18 : memref<!tpu.dma_semaphore, #tpu.memory_space<semaphore_mem>>) src(%dma_wait3A_433 : memref<100000x128xf32, #tpu.memory_space<hbm>>) dst(%dma_wait3A_427 : memref<50x128xf32, #tpu.memory_space<vmem>>)
      %dma_wait3A_434 = arith.constant 1 : i32
      %dma_wait3A_435 = arith.constant 1 : i32
      %dma_wait3A_436 = arith.constant 0 : i32
      %dma_wait3A_437 = arith.constant 0 : i32
      %dma_wait3A_438 = tpu.memref_slice %arg10[%dma_wait3A_435, %dma_wait3A_436, %dma_wait3A_437] : memref<2x50x128xf32, #tpu.memory_space<vmem>> -> memref<1x50x128xf32, #tpu.memory_space<vmem>>
      %dma_wait3A_439 = tpu.memref_squeeze %dma_wait3A_438 : memref<1x50x128xf32, #tpu.memory_space<vmem>> -> memref<50x128xf32, #tpu.memory_space<vmem>>
      %dma_wait3A_440 = arith.constant 0 : i32
      %dma_wait3A_441 = tpu.memref_slice %arg5[%add3A_421, %dma_wait3A_434, %dma_wait3A_440] : memref<64x2x50xi32, #tpu.memory_space<vmem>> -> memref<1x1x50xi32, #tpu.memory_space<vmem>>
      %dma_wait3A_442 = tpu.memref_squeeze %dma_wait3A_441 : memref<1x1x50xi32, #tpu.memory_space<vmem>> -> memref<50xi32, #tpu.memory_space<vmem>>
      %dma_wait3A_443 = arith.constant 0 : i32
      %dma_wait3A_444 = arith.constant 0 : i32
      %dma_wait3A_445 = tpu.memref_slice %arg3[%dma_wait3A_443, %dma_wait3A_444] : memref<100000x128xf32, #tpu.memory_space<hbm>> -> memref<100000x128xf32, #tpu.memory_space<hbm>>
      tpu.wait_indirect_dma semaphore(%arg18 : memref<!tpu.dma_semaphore, #tpu.memory_space<semaphore_mem>>) src(%dma_wait3A_445 : memref<100000x128xf32, #tpu.memory_space<hbm>>) dst(%dma_wait3A_439 : memref<50x128xf32, #tpu.memory_space<vmem>>)
      %mul3A_446 = arith.constant 64 : i32
      %mul3A_447 = arith.muli %add3A, %mul3A_446 : i32
      %add3A_448 = arith.addi %mul3A_447, %add3A_421 : i32
      %mul3A_449 = arith.constant 2 : i32
      %mul3A_450 = arith.muli %add3A_448, %mul3A_449 : i32
      %dma_start3A_451 = arith.constant 0 : i32
      %dma_start3A_452 = arith.constant 0 : i32
      %dma_start3A_453 = tpu.memref_slice %arg4[%mul3A_450, %dma_start3A_451, %dma_start3A_452] : memref<4096x50x128xf32, #tpu.memory_space<hbm>> -> memref<2x50x128xf32, #tpu.memory_space<hbm>>
      %dma_start3A_454 = arith.constant 0 : i32
      %dma_start3A_455 = arith.constant 0 : i32
      %dma_start3A_456 = tpu.memref_slice %arg4[%mul3A_450, %dma_start3A_454, %dma_start3A_455] : memref<4096x50x128xf32, #tpu.memory_space<hbm>> -> memref<2x50x128xf32, #tpu.memory_space<hbm>>
      tpu.enqueue_dma source(%arg10 : memref<2x50x128xf32, #tpu.memory_space<vmem>>) target(%dma_start3A_456 : memref<2x50x128xf32, #tpu.memory_space<hbm>>) target_semaphore(%arg26 : memref<!tpu.dma_semaphore, #tpu.memory_space<semaphore_mem>>)
      %dma_wait3A_457 = arith.constant 0 : i32
      %dma_wait3A_458 = arith.constant 0 : i32
      %dma_wait3A_459 = tpu.memref_slice %arg4[%mul3A_450, %dma_wait3A_457, %dma_wait3A_458] : memref<4096x50x128xf32, #tpu.memory_space<hbm>> -> memref<2x50x128xf32, #tpu.memory_space<hbm>>
      %dma_wait3A_460 = arith.constant 0 : i32
      %dma_wait3A_461 = arith.constant 0 : i32
      %dma_wait3A_462 = tpu.memref_slice %arg4[%mul3A_450, %dma_wait3A_460, %dma_wait3A_461] : memref<4096x50x128xf32, #tpu.memory_space<hbm>> -> memref<2x50x128xf32, #tpu.memory_space<hbm>>
      tpu.wait_dma2 semaphore(%arg26 : memref<!tpu.dma_semaphore, #tpu.memory_space<semaphore_mem>>) src(%arg10 : memref<2x50x128xf32, #tpu.memory_space<vmem>>) dst(%dma_wait3A_462 : memref<2x50x128xf32, #tpu.memory_space<hbm>>)
      %add3A_463 = arith.constant 1 : i32
      %add3A_464 = arith.addi %scan3A_213, %add3A_463 : i32
      %lt3A_465 = arith.constant 8 : i32
      %lt3A_466 = arith.cmpi slt, %add3A_464, %lt3A_465 : i32
      %convert_element_type3A_467 = arith.extui %lt3A_466 : i1 to i32
      %cond3A_468 = arith.constant 0 : i32
      %cond3A_469 = arith.cmpi ne, %convert_element_type3A_467, %cond3A_468 : i32
      scf.if %cond3A_469 {
        %add3A_626 = arith.constant 8 : i32
        %add3A_627 = arith.addi %add3A_421, %add3A_626 : i32
        %dma_start3A_628 = arith.constant 0 : i32
        %dma_start3A_629 = arith.constant 0 : i32
        %dma_start3A_630 = arith.constant 0 : i32
        %dma_start3A_631 = arith.constant 0 : i32
        %dma_start3A_632 = tpu.memref_slice %arg10[%dma_start3A_629, %dma_start3A_630, %dma_start3A_631] : memref<2x50x128xf32, #tpu.memory_space<vmem>> -> memref<1x50x128xf32, #tpu.memory_space<vmem>>
        %dma_start3A_633 = tpu.memref_squeeze %dma_start3A_632 : memref<1x50x128xf32, #tpu.memory_space<vmem>> -> memref<50x128xf32, #tpu.memory_space<vmem>>
        %dma_start3A_634 = arith.constant 0 : i32
        %dma_start3A_635 = tpu.memref_slice %arg5[%add3A_627, %dma_start3A_628, %dma_start3A_634] : memref<64x2x50xi32, #tpu.memory_space<vmem>> -> memref<1x1x50xi32, #tpu.memory_space<vmem>>
        %dma_start3A_636 = tpu.memref_squeeze %dma_start3A_635 : memref<1x1x50xi32, #tpu.memory_space<vmem>> -> memref<50xi32, #tpu.memory_space<vmem>>
        %dma_start3A_637 = arith.constant 0 : i32
        %dma_start3A_638 = arith.constant 0 : i32
        %dma_start3A_639 = tpu.memref_slice %arg3[%dma_start3A_637, %dma_start3A_638] : memref<100000x128xf32, #tpu.memory_space<hbm>> -> memref<100000x128xf32, #tpu.memory_space<hbm>>
        tpu.enqueue_indirect_dma source(%dma_start3A_639 : memref<100000x128xf32, #tpu.memory_space<hbm>>) target(%dma_start3A_633 : memref<50x128xf32, #tpu.memory_space<vmem>>) offsets(%dma_start3A_636 : memref<50xi32, #tpu.memory_space<vmem>>) semaphore(%arg18 : memref<!tpu.dma_semaphore, #tpu.memory_space<semaphore_mem>>)
        %dma_start3A_640 = arith.constant 1 : i32
        %dma_start3A_641 = arith.constant 1 : i32
        %dma_start3A_642 = arith.constant 0 : i32
        %dma_start3A_643 = arith.constant 0 : i32
        %dma_start3A_644 = tpu.memref_slice %arg10[%dma_start3A_641, %dma_start3A_642, %dma_start3A_643] : memref<2x50x128xf32, #tpu.memory_space<vmem>> -> memref<1x50x128xf32, #tpu.memory_space<vmem>>
        %dma_start3A_645 = tpu.memref_squeeze %dma_start3A_644 : memref<1x50x128xf32, #tpu.memory_space<vmem>> -> memref<50x128xf32, #tpu.memory_space<vmem>>
        %dma_start3A_646 = arith.constant 0 : i32
        %dma_start3A_647 = tpu.memref_slice %arg5[%add3A_627, %dma_start3A_640, %dma_start3A_646] : memref<64x2x50xi32, #tpu.memory_space<vmem>> -> memref<1x1x50xi32, #tpu.memory_space<vmem>>
        %dma_start3A_648 = tpu.memref_squeeze %dma_start3A_647 : memref<1x1x50xi32, #tpu.memory_space<vmem>> -> memref<50xi32, #tpu.memory_space<vmem>>
        %dma_start3A_649 = arith.constant 0 : i32
        %dma_start3A_650 = arith.constant 0 : i32
        %dma_start3A_651 = tpu.memref_slice %arg3[%dma_start3A_649, %dma_start3A_650] : memref<100000x128xf32, #tpu.memory_space<hbm>> -> memref<100000x128xf32, #tpu.memory_space<hbm>>
        tpu.enqueue_indirect_dma source(%dma_start3A_651 : memref<100000x128xf32, #tpu.memory_space<hbm>>) target(%dma_start3A_645 : memref<50x128xf32, #tpu.memory_space<vmem>>) offsets(%dma_start3A_648 : memref<50xi32, #tpu.memory_space<vmem>>) semaphore(%arg18 : memref<!tpu.dma_semaphore, #tpu.memory_space<semaphore_mem>>)
      } else {
      }
      %mul3A_470 = arith.constant 8 : i32
      %mul3A_471 = arith.muli %scan3A_213, %mul3A_470 : i32
      %add3A_472 = arith.constant 5 : i32
      %add3A_473 = arith.addi %mul3A_471, %add3A_472 : i32
      %dma_wait3A_474 = arith.constant 0 : i32
      %dma_wait3A_475 = arith.constant 0 : i32
      %dma_wait3A_476 = arith.constant 0 : i32
      %dma_wait3A_477 = arith.constant 0 : i32
      %dma_wait3A_478 = tpu.memref_slice %arg11[%dma_wait3A_475, %dma_wait3A_476, %dma_wait3A_477] : memref<2x50x128xf32, #tpu.memory_space<vmem>> -> memref<1x50x128xf32, #tpu.memory_space<vmem>>
      %dma_wait3A_479 = tpu.memref_squeeze %dma_wait3A_478 : memref<1x50x128xf32, #tpu.memory_space<vmem>> -> memref<50x128xf32, #tpu.memory_space<vmem>>
      %dma_wait3A_480 = arith.constant 0 : i32
      %dma_wait3A_481 = tpu.memref_slice %arg5[%add3A_473, %dma_wait3A_474, %dma_wait3A_480] : memref<64x2x50xi32, #tpu.memory_space<vmem>> -> memref<1x1x50xi32, #tpu.memory_space<vmem>>
      %dma_wait3A_482 = tpu.memref_squeeze %dma_wait3A_481 : memref<1x1x50xi32, #tpu.memory_space<vmem>> -> memref<50xi32, #tpu.memory_space<vmem>>
      %dma_wait3A_483 = arith.constant 0 : i32
      %dma_wait3A_484 = arith.constant 0 : i32
      %dma_wait3A_485 = tpu.memref_slice %arg3[%dma_wait3A_483, %dma_wait3A_484] : memref<100000x128xf32, #tpu.memory_space<hbm>> -> memref<100000x128xf32, #tpu.memory_space<hbm>>
      tpu.wait_indirect_dma semaphore(%arg19 : memref<!tpu.dma_semaphore, #tpu.memory_space<semaphore_mem>>) src(%dma_wait3A_485 : memref<100000x128xf32, #tpu.memory_space<hbm>>) dst(%dma_wait3A_479 : memref<50x128xf32, #tpu.memory_space<vmem>>)
      %dma_wait3A_486 = arith.constant 1 : i32
      %dma_wait3A_487 = arith.constant 1 : i32
      %dma_wait3A_488 = arith.constant 0 : i32
      %dma_wait3A_489 = arith.constant 0 : i32
      %dma_wait3A_490 = tpu.memref_slice %arg11[%dma_wait3A_487, %dma_wait3A_488, %dma_wait3A_489] : memref<2x50x128xf32, #tpu.memory_space<vmem>> -> memref<1x50x128xf32, #tpu.memory_space<vmem>>
      %dma_wait3A_491 = tpu.memref_squeeze %dma_wait3A_490 : memref<1x50x128xf32, #tpu.memory_space<vmem>> -> memref<50x128xf32, #tpu.memory_space<vmem>>
      %dma_wait3A_492 = arith.constant 0 : i32
      %dma_wait3A_493 = tpu.memref_slice %arg5[%add3A_473, %dma_wait3A_486, %dma_wait3A_492] : memref<64x2x50xi32, #tpu.memory_space<vmem>> -> memref<1x1x50xi32, #tpu.memory_space<vmem>>
      %dma_wait3A_494 = tpu.memref_squeeze %dma_wait3A_493 : memref<1x1x50xi32, #tpu.memory_space<vmem>> -> memref<50xi32, #tpu.memory_space<vmem>>
      %dma_wait3A_495 = arith.constant 0 : i32
      %dma_wait3A_496 = arith.constant 0 : i32
      %dma_wait3A_497 = tpu.memref_slice %arg3[%dma_wait3A_495, %dma_wait3A_496] : memref<100000x128xf32, #tpu.memory_space<hbm>> -> memref<100000x128xf32, #tpu.memory_space<hbm>>
      tpu.wait_indirect_dma semaphore(%arg19 : memref<!tpu.dma_semaphore, #tpu.memory_space<semaphore_mem>>) src(%dma_wait3A_497 : memref<100000x128xf32, #tpu.memory_space<hbm>>) dst(%dma_wait3A_491 : memref<50x128xf32, #tpu.memory_space<vmem>>)
      %mul3A_498 = arith.constant 64 : i32
      %mul3A_499 = arith.muli %add3A, %mul3A_498 : i32
      %add3A_500 = arith.addi %mul3A_499, %add3A_473 : i32
      %mul3A_501 = arith.constant 2 : i32
      %mul3A_502 = arith.muli %add3A_500, %mul3A_501 : i32
      %dma_start3A_503 = arith.constant 0 : i32
      %dma_start3A_504 = arith.constant 0 : i32
      %dma_start3A_505 = tpu.memref_slice %arg4[%mul3A_502, %dma_start3A_503, %dma_start3A_504] : memref<4096x50x128xf32, #tpu.memory_space<hbm>> -> memref<2x50x128xf32, #tpu.memory_space<hbm>>
      %dma_start3A_506 = arith.constant 0 : i32
      %dma_start3A_507 = arith.constant 0 : i32
      %dma_start3A_508 = tpu.memref_slice %arg4[%mul3A_502, %dma_start3A_506, %dma_start3A_507] : memref<4096x50x128xf32, #tpu.memory_space<hbm>> -> memref<2x50x128xf32, #tpu.memory_space<hbm>>
      tpu.enqueue_dma source(%arg11 : memref<2x50x128xf32, #tpu.memory_space<vmem>>) target(%dma_start3A_508 : memref<2x50x128xf32, #tpu.memory_space<hbm>>) target_semaphore(%arg27 : memref<!tpu.dma_semaphore, #tpu.memory_space<semaphore_mem>>)
      %dma_wait3A_509 = arith.constant 0 : i32
      %dma_wait3A_510 = arith.constant 0 : i32
      %dma_wait3A_511 = tpu.memref_slice %arg4[%mul3A_502, %dma_wait3A_509, %dma_wait3A_510] : memref<4096x50x128xf32, #tpu.memory_space<hbm>> -> memref<2x50x128xf32, #tpu.memory_space<hbm>>
      %dma_wait3A_512 = arith.constant 0 : i32
      %dma_wait3A_513 = arith.constant 0 : i32
      %dma_wait3A_514 = tpu.memref_slice %arg4[%mul3A_502, %dma_wait3A_512, %dma_wait3A_513] : memref<4096x50x128xf32, #tpu.memory_space<hbm>> -> memref<2x50x128xf32, #tpu.memory_space<hbm>>
      tpu.wait_dma2 semaphore(%arg27 : memref<!tpu.dma_semaphore, #tpu.memory_space<semaphore_mem>>) src(%arg11 : memref<2x50x128xf32, #tpu.memory_space<vmem>>) dst(%dma_wait3A_514 : memref<2x50x128xf32, #tpu.memory_space<hbm>>)
      %add3A_515 = arith.constant 1 : i32
      %add3A_516 = arith.addi %scan3A_213, %add3A_515 : i32
      %lt3A_517 = arith.constant 8 : i32
      %lt3A_518 = arith.cmpi slt, %add3A_516, %lt3A_517 : i32
      %convert_element_type3A_519 = arith.extui %lt3A_518 : i1 to i32
      %cond3A_520 = arith.constant 0 : i32
      %cond3A_521 = arith.cmpi ne, %convert_element_type3A_519, %cond3A_520 : i32
      scf.if %cond3A_521 {
        %add3A_626 = arith.constant 8 : i32
        %add3A_627 = arith.addi %add3A_473, %add3A_626 : i32
        %dma_start3A_628 = arith.constant 0 : i32
        %dma_start3A_629 = arith.constant 0 : i32
        %dma_start3A_630 = arith.constant 0 : i32
        %dma_start3A_631 = arith.constant 0 : i32
        %dma_start3A_632 = tpu.memref_slice %arg11[%dma_start3A_629, %dma_start3A_630, %dma_start3A_631] : memref<2x50x128xf32, #tpu.memory_space<vmem>> -> memref<1x50x128xf32, #tpu.memory_space<vmem>>
        %dma_start3A_633 = tpu.memref_squeeze %dma_start3A_632 : memref<1x50x128xf32, #tpu.memory_space<vmem>> -> memref<50x128xf32, #tpu.memory_space<vmem>>
        %dma_start3A_634 = arith.constant 0 : i32
        %dma_start3A_635 = tpu.memref_slice %arg5[%add3A_627, %dma_start3A_628, %dma_start3A_634] : memref<64x2x50xi32, #tpu.memory_space<vmem>> -> memref<1x1x50xi32, #tpu.memory_space<vmem>>
        %dma_start3A_636 = tpu.memref_squeeze %dma_start3A_635 : memref<1x1x50xi32, #tpu.memory_space<vmem>> -> memref<50xi32, #tpu.memory_space<vmem>>
        %dma_start3A_637 = arith.constant 0 : i32
        %dma_start3A_638 = arith.constant 0 : i32
        %dma_start3A_639 = tpu.memref_slice %arg3[%dma_start3A_637, %dma_start3A_638] : memref<100000x128xf32, #tpu.memory_space<hbm>> -> memref<100000x128xf32, #tpu.memory_space<hbm>>
        tpu.enqueue_indirect_dma source(%dma_start3A_639 : memref<100000x128xf32, #tpu.memory_space<hbm>>) target(%dma_start3A_633 : memref<50x128xf32, #tpu.memory_space<vmem>>) offsets(%dma_start3A_636 : memref<50xi32, #tpu.memory_space<vmem>>) semaphore(%arg19 : memref<!tpu.dma_semaphore, #tpu.memory_space<semaphore_mem>>)
        %dma_start3A_640 = arith.constant 1 : i32
        %dma_start3A_641 = arith.constant 1 : i32
        %dma_start3A_642 = arith.constant 0 : i32
        %dma_start3A_643 = arith.constant 0 : i32
        %dma_start3A_644 = tpu.memref_slice %arg11[%dma_start3A_641, %dma_start3A_642, %dma_start3A_643] : memref<2x50x128xf32, #tpu.memory_space<vmem>> -> memref<1x50x128xf32, #tpu.memory_space<vmem>>
        %dma_start3A_645 = tpu.memref_squeeze %dma_start3A_644 : memref<1x50x128xf32, #tpu.memory_space<vmem>> -> memref<50x128xf32, #tpu.memory_space<vmem>>
        %dma_start3A_646 = arith.constant 0 : i32
        %dma_start3A_647 = tpu.memref_slice %arg5[%add3A_627, %dma_start3A_640, %dma_start3A_646] : memref<64x2x50xi32, #tpu.memory_space<vmem>> -> memref<1x1x50xi32, #tpu.memory_space<vmem>>
        %dma_start3A_648 = tpu.memref_squeeze %dma_start3A_647 : memref<1x1x50xi32, #tpu.memory_space<vmem>> -> memref<50xi32, #tpu.memory_space<vmem>>
        %dma_start3A_649 = arith.constant 0 : i32
        %dma_start3A_650 = arith.constant 0 : i32
        %dma_start3A_651 = tpu.memref_slice %arg3[%dma_start3A_649, %dma_start3A_650] : memref<100000x128xf32, #tpu.memory_space<hbm>> -> memref<100000x128xf32, #tpu.memory_space<hbm>>
        tpu.enqueue_indirect_dma source(%dma_start3A_651 : memref<100000x128xf32, #tpu.memory_space<hbm>>) target(%dma_start3A_645 : memref<50x128xf32, #tpu.memory_space<vmem>>) offsets(%dma_start3A_648 : memref<50xi32, #tpu.memory_space<vmem>>) semaphore(%arg19 : memref<!tpu.dma_semaphore, #tpu.memory_space<semaphore_mem>>)
      } else {
      }
      %mul3A_522 = arith.constant 8 : i32
      %mul3A_523 = arith.muli %scan3A_213, %mul3A_522 : i32
      %add3A_524 = arith.constant 6 : i32
      %add3A_525 = arith.addi %mul3A_523, %add3A_524 : i32
      %dma_wait3A_526 = arith.constant 0 : i32
      %dma_wait3A_527 = arith.constant 0 : i32
      %dma_wait3A_528 = arith.constant 0 : i32
      %dma_wait3A_529 = arith.constant 0 : i32
      %dma_wait3A_530 = tpu.memref_slice %arg12[%dma_wait3A_527, %dma_wait3A_528, %dma_wait3A_529] : memref<2x50x128xf32, #tpu.memory_space<vmem>> -> memref<1x50x128xf32, #tpu.memory_space<vmem>>
      %dma_wait3A_531 = tpu.memref_squeeze %dma_wait3A_530 : memref<1x50x128xf32, #tpu.memory_space<vmem>> -> memref<50x128xf32, #tpu.memory_space<vmem>>
      %dma_wait3A_532 = arith.constant 0 : i32
      %dma_wait3A_533 = tpu.memref_slice %arg5[%add3A_525, %dma_wait3A_526, %dma_wait3A_532] : memref<64x2x50xi32, #tpu.memory_space<vmem>> -> memref<1x1x50xi32, #tpu.memory_space<vmem>>
      %dma_wait3A_534 = tpu.memref_squeeze %dma_wait3A_533 : memref<1x1x50xi32, #tpu.memory_space<vmem>> -> memref<50xi32, #tpu.memory_space<vmem>>
      %dma_wait3A_535 = arith.constant 0 : i32
      %dma_wait3A_536 = arith.constant 0 : i32
      %dma_wait3A_537 = tpu.memref_slice %arg3[%dma_wait3A_535, %dma_wait3A_536] : memref<100000x128xf32, #tpu.memory_space<hbm>> -> memref<100000x128xf32, #tpu.memory_space<hbm>>
      tpu.wait_indirect_dma semaphore(%arg20 : memref<!tpu.dma_semaphore, #tpu.memory_space<semaphore_mem>>) src(%dma_wait3A_537 : memref<100000x128xf32, #tpu.memory_space<hbm>>) dst(%dma_wait3A_531 : memref<50x128xf32, #tpu.memory_space<vmem>>)
      %dma_wait3A_538 = arith.constant 1 : i32
      %dma_wait3A_539 = arith.constant 1 : i32
      %dma_wait3A_540 = arith.constant 0 : i32
      %dma_wait3A_541 = arith.constant 0 : i32
      %dma_wait3A_542 = tpu.memref_slice %arg12[%dma_wait3A_539, %dma_wait3A_540, %dma_wait3A_541] : memref<2x50x128xf32, #tpu.memory_space<vmem>> -> memref<1x50x128xf32, #tpu.memory_space<vmem>>
      %dma_wait3A_543 = tpu.memref_squeeze %dma_wait3A_542 : memref<1x50x128xf32, #tpu.memory_space<vmem>> -> memref<50x128xf32, #tpu.memory_space<vmem>>
      %dma_wait3A_544 = arith.constant 0 : i32
      %dma_wait3A_545 = tpu.memref_slice %arg5[%add3A_525, %dma_wait3A_538, %dma_wait3A_544] : memref<64x2x50xi32, #tpu.memory_space<vmem>> -> memref<1x1x50xi32, #tpu.memory_space<vmem>>
      %dma_wait3A_546 = tpu.memref_squeeze %dma_wait3A_545 : memref<1x1x50xi32, #tpu.memory_space<vmem>> -> memref<50xi32, #tpu.memory_space<vmem>>
      %dma_wait3A_547 = arith.constant 0 : i32
      %dma_wait3A_548 = arith.constant 0 : i32
      %dma_wait3A_549 = tpu.memref_slice %arg3[%dma_wait3A_547, %dma_wait3A_548] : memref<100000x128xf32, #tpu.memory_space<hbm>> -> memref<100000x128xf32, #tpu.memory_space<hbm>>
      tpu.wait_indirect_dma semaphore(%arg20 : memref<!tpu.dma_semaphore, #tpu.memory_space<semaphore_mem>>) src(%dma_wait3A_549 : memref<100000x128xf32, #tpu.memory_space<hbm>>) dst(%dma_wait3A_543 : memref<50x128xf32, #tpu.memory_space<vmem>>)
      %mul3A_550 = arith.constant 64 : i32
      %mul3A_551 = arith.muli %add3A, %mul3A_550 : i32
      %add3A_552 = arith.addi %mul3A_551, %add3A_525 : i32
      %mul3A_553 = arith.constant 2 : i32
      %mul3A_554 = arith.muli %add3A_552, %mul3A_553 : i32
      %dma_start3A_555 = arith.constant 0 : i32
      %dma_start3A_556 = arith.constant 0 : i32
      %dma_start3A_557 = tpu.memref_slice %arg4[%mul3A_554, %dma_start3A_555, %dma_start3A_556] : memref<4096x50x128xf32, #tpu.memory_space<hbm>> -> memref<2x50x128xf32, #tpu.memory_space<hbm>>
      %dma_start3A_558 = arith.constant 0 : i32
      %dma_start3A_559 = arith.constant 0 : i32
      %dma_start3A_560 = tpu.memref_slice %arg4[%mul3A_554, %dma_start3A_558, %dma_start3A_559] : memref<4096x50x128xf32, #tpu.memory_space<hbm>> -> memref<2x50x128xf32, #tpu.memory_space<hbm>>
      tpu.enqueue_dma source(%arg12 : memref<2x50x128xf32, #tpu.memory_space<vmem>>) target(%dma_start3A_560 : memref<2x50x128xf32, #tpu.memory_space<hbm>>) target_semaphore(%arg28 : memref<!tpu.dma_semaphore, #tpu.memory_space<semaphore_mem>>)
      %dma_wait3A_561 = arith.constant 0 : i32
      %dma_wait3A_562 = arith.constant 0 : i32
      %dma_wait3A_563 = tpu.memref_slice %arg4[%mul3A_554, %dma_wait3A_561, %dma_wait3A_562] : memref<4096x50x128xf32, #tpu.memory_space<hbm>> -> memref<2x50x128xf32, #tpu.memory_space<hbm>>
      %dma_wait3A_564 = arith.constant 0 : i32
      %dma_wait3A_565 = arith.constant 0 : i32
      %dma_wait3A_566 = tpu.memref_slice %arg4[%mul3A_554, %dma_wait3A_564, %dma_wait3A_565] : memref<4096x50x128xf32, #tpu.memory_space<hbm>> -> memref<2x50x128xf32, #tpu.memory_space<hbm>>
      tpu.wait_dma2 semaphore(%arg28 : memref<!tpu.dma_semaphore, #tpu.memory_space<semaphore_mem>>) src(%arg12 : memref<2x50x128xf32, #tpu.memory_space<vmem>>) dst(%dma_wait3A_566 : memref<2x50x128xf32, #tpu.memory_space<hbm>>)
      %add3A_567 = arith.constant 1 : i32
      %add3A_568 = arith.addi %scan3A_213, %add3A_567 : i32
      %lt3A_569 = arith.constant 8 : i32
      %lt3A_570 = arith.cmpi slt, %add3A_568, %lt3A_569 : i32
      %convert_element_type3A_571 = arith.extui %lt3A_570 : i1 to i32
      %cond3A_572 = arith.constant 0 : i32
      %cond3A_573 = arith.cmpi ne, %convert_element_type3A_571, %cond3A_572 : i32
      scf.if %cond3A_573 {
        %add3A_626 = arith.constant 8 : i32
        %add3A_627 = arith.addi %add3A_525, %add3A_626 : i32
        %dma_start3A_628 = arith.constant 0 : i32
        %dma_start3A_629 = arith.constant 0 : i32
        %dma_start3A_630 = arith.constant 0 : i32
        %dma_start3A_631 = arith.constant 0 : i32
        %dma_start3A_632 = tpu.memref_slice %arg12[%dma_start3A_629, %dma_start3A_630, %dma_start3A_631] : memref<2x50x128xf32, #tpu.memory_space<vmem>> -> memref<1x50x128xf32, #tpu.memory_space<vmem>>
        %dma_start3A_633 = tpu.memref_squeeze %dma_start3A_632 : memref<1x50x128xf32, #tpu.memory_space<vmem>> -> memref<50x128xf32, #tpu.memory_space<vmem>>
        %dma_start3A_634 = arith.constant 0 : i32
        %dma_start3A_635 = tpu.memref_slice %arg5[%add3A_627, %dma_start3A_628, %dma_start3A_634] : memref<64x2x50xi32, #tpu.memory_space<vmem>> -> memref<1x1x50xi32, #tpu.memory_space<vmem>>
        %dma_start3A_636 = tpu.memref_squeeze %dma_start3A_635 : memref<1x1x50xi32, #tpu.memory_space<vmem>> -> memref<50xi32, #tpu.memory_space<vmem>>
        %dma_start3A_637 = arith.constant 0 : i32
        %dma_start3A_638 = arith.constant 0 : i32
        %dma_start3A_639 = tpu.memref_slice %arg3[%dma_start3A_637, %dma_start3A_638] : memref<100000x128xf32, #tpu.memory_space<hbm>> -> memref<100000x128xf32, #tpu.memory_space<hbm>>
        tpu.enqueue_indirect_dma source(%dma_start3A_639 : memref<100000x128xf32, #tpu.memory_space<hbm>>) target(%dma_start3A_633 : memref<50x128xf32, #tpu.memory_space<vmem>>) offsets(%dma_start3A_636 : memref<50xi32, #tpu.memory_space<vmem>>) semaphore(%arg20 : memref<!tpu.dma_semaphore, #tpu.memory_space<semaphore_mem>>)
        %dma_start3A_640 = arith.constant 1 : i32
        %dma_start3A_641 = arith.constant 1 : i32
        %dma_start3A_642 = arith.constant 0 : i32
        %dma_start3A_643 = arith.constant 0 : i32
        %dma_start3A_644 = tpu.memref_slice %arg12[%dma_start3A_641, %dma_start3A_642, %dma_start3A_643] : memref<2x50x128xf32, #tpu.memory_space<vmem>> -> memref<1x50x128xf32, #tpu.memory_space<vmem>>
        %dma_start3A_645 = tpu.memref_squeeze %dma_start3A_644 : memref<1x50x128xf32, #tpu.memory_space<vmem>> -> memref<50x128xf32, #tpu.memory_space<vmem>>
        %dma_start3A_646 = arith.constant 0 : i32
        %dma_start3A_647 = tpu.memref_slice %arg5[%add3A_627, %dma_start3A_640, %dma_start3A_646] : memref<64x2x50xi32, #tpu.memory_space<vmem>> -> memref<1x1x50xi32, #tpu.memory_space<vmem>>
        %dma_start3A_648 = tpu.memref_squeeze %dma_start3A_647 : memref<1x1x50xi32, #tpu.memory_space<vmem>> -> memref<50xi32, #tpu.memory_space<vmem>>
        %dma_start3A_649 = arith.constant 0 : i32
        %dma_start3A_650 = arith.constant 0 : i32
        %dma_start3A_651 = tpu.memref_slice %arg3[%dma_start3A_649, %dma_start3A_650] : memref<100000x128xf32, #tpu.memory_space<hbm>> -> memref<100000x128xf32, #tpu.memory_space<hbm>>
        tpu.enqueue_indirect_dma source(%dma_start3A_651 : memref<100000x128xf32, #tpu.memory_space<hbm>>) target(%dma_start3A_645 : memref<50x128xf32, #tpu.memory_space<vmem>>) offsets(%dma_start3A_648 : memref<50xi32, #tpu.memory_space<vmem>>) semaphore(%arg20 : memref<!tpu.dma_semaphore, #tpu.memory_space<semaphore_mem>>)
      } else {
      }
      %mul3A_574 = arith.constant 8 : i32
      %mul3A_575 = arith.muli %scan3A_213, %mul3A_574 : i32
      %add3A_576 = arith.constant 7 : i32
      %add3A_577 = arith.addi %mul3A_575, %add3A_576 : i32
      %dma_wait3A_578 = arith.constant 0 : i32
      %dma_wait3A_579 = arith.constant 0 : i32
      %dma_wait3A_580 = arith.constant 0 : i32
      %dma_wait3A_581 = arith.constant 0 : i32
      %dma_wait3A_582 = tpu.memref_slice %arg13[%dma_wait3A_579, %dma_wait3A_580, %dma_wait3A_581] : memref<2x50x128xf32, #tpu.memory_space<vmem>> -> memref<1x50x128xf32, #tpu.memory_space<vmem>>
      %dma_wait3A_583 = tpu.memref_squeeze %dma_wait3A_582 : memref<1x50x128xf32, #tpu.memory_space<vmem>> -> memref<50x128xf32, #tpu.memory_space<vmem>>
      %dma_wait3A_584 = arith.constant 0 : i32
      %dma_wait3A_585 = tpu.memref_slice %arg5[%add3A_577, %dma_wait3A_578, %dma_wait3A_584] : memref<64x2x50xi32, #tpu.memory_space<vmem>> -> memref<1x1x50xi32, #tpu.memory_space<vmem>>
      %dma_wait3A_586 = tpu.memref_squeeze %dma_wait3A_585 : memref<1x1x50xi32, #tpu.memory_space<vmem>> -> memref<50xi32, #tpu.memory_space<vmem>>
      %dma_wait3A_587 = arith.constant 0 : i32
      %dma_wait3A_588 = arith.constant 0 : i32
      %dma_wait3A_589 = tpu.memref_slice %arg3[%dma_wait3A_587, %dma_wait3A_588] : memref<100000x128xf32, #tpu.memory_space<hbm>> -> memref<100000x128xf32, #tpu.memory_space<hbm>>
      tpu.wait_indirect_dma semaphore(%arg21 : memref<!tpu.dma_semaphore, #tpu.memory_space<semaphore_mem>>) src(%dma_wait3A_589 : memref<100000x128xf32, #tpu.memory_space<hbm>>) dst(%dma_wait3A_583 : memref<50x128xf32, #tpu.memory_space<vmem>>)
      %dma_wait3A_590 = arith.constant 1 : i32
      %dma_wait3A_591 = arith.constant 1 : i32
      %dma_wait3A_592 = arith.constant 0 : i32
      %dma_wait3A_593 = arith.constant 0 : i32
      %dma_wait3A_594 = tpu.memref_slice %arg13[%dma_wait3A_591, %dma_wait3A_592, %dma_wait3A_593] : memref<2x50x128xf32, #tpu.memory_space<vmem>> -> memref<1x50x128xf32, #tpu.memory_space<vmem>>
      %dma_wait3A_595 = tpu.memref_squeeze %dma_wait3A_594 : memref<1x50x128xf32, #tpu.memory_space<vmem>> -> memref<50x128xf32, #tpu.memory_space<vmem>>
      %dma_wait3A_596 = arith.constant 0 : i32
      %dma_wait3A_597 = tpu.memref_slice %arg5[%add3A_577, %dma_wait3A_590, %dma_wait3A_596] : memref<64x2x50xi32, #tpu.memory_space<vmem>> -> memref<1x1x50xi32, #tpu.memory_space<vmem>>
      %dma_wait3A_598 = tpu.memref_squeeze %dma_wait3A_597 : memref<1x1x50xi32, #tpu.memory_space<vmem>> -> memref<50xi32, #tpu.memory_space<vmem>>
      %dma_wait3A_599 = arith.constant 0 : i32
      %dma_wait3A_600 = arith.constant 0 : i32
      %dma_wait3A_601 = tpu.memref_slice %arg3[%dma_wait3A_599, %dma_wait3A_600] : memref<100000x128xf32, #tpu.memory_space<hbm>> -> memref<100000x128xf32, #tpu.memory_space<hbm>>
      tpu.wait_indirect_dma semaphore(%arg21 : memref<!tpu.dma_semaphore, #tpu.memory_space<semaphore_mem>>) src(%dma_wait3A_601 : memref<100000x128xf32, #tpu.memory_space<hbm>>) dst(%dma_wait3A_595 : memref<50x128xf32, #tpu.memory_space<vmem>>)
      %mul3A_602 = arith.constant 64 : i32
      %mul3A_603 = arith.muli %add3A, %mul3A_602 : i32
      %add3A_604 = arith.addi %mul3A_603, %add3A_577 : i32
      %mul3A_605 = arith.constant 2 : i32
      %mul3A_606 = arith.muli %add3A_604, %mul3A_605 : i32
      %dma_start3A_607 = arith.constant 0 : i32
      %dma_start3A_608 = arith.constant 0 : i32
      %dma_start3A_609 = tpu.memref_slice %arg4[%mul3A_606, %dma_start3A_607, %dma_start3A_608] : memref<4096x50x128xf32, #tpu.memory_space<hbm>> -> memref<2x50x128xf32, #tpu.memory_space<hbm>>
      %dma_start3A_610 = arith.constant 0 : i32
      %dma_start3A_611 = arith.constant 0 : i32
      %dma_start3A_612 = tpu.memref_slice %arg4[%mul3A_606, %dma_start3A_610, %dma_start3A_611] : memref<4096x50x128xf32, #tpu.memory_space<hbm>> -> memref<2x50x128xf32, #tpu.memory_space<hbm>>
      tpu.enqueue_dma source(%arg13 : memref<2x50x128xf32, #tpu.memory_space<vmem>>) target(%dma_start3A_612 : memref<2x50x128xf32, #tpu.memory_space<hbm>>) target_semaphore(%arg29 : memref<!tpu.dma_semaphore, #tpu.memory_space<semaphore_mem>>)
      %dma_wait3A_613 = arith.constant 0 : i32
      %dma_wait3A_614 = arith.constant 0 : i32
      %dma_wait3A_615 = tpu.memref_slice %arg4[%mul3A_606, %dma_wait3A_613, %dma_wait3A_614] : memref<4096x50x128xf32, #tpu.memory_space<hbm>> -> memref<2x50x128xf32, #tpu.memory_space<hbm>>
      %dma_wait3A_616 = arith.constant 0 : i32
      %dma_wait3A_617 = arith.constant 0 : i32
      %dma_wait3A_618 = tpu.memref_slice %arg4[%mul3A_606, %dma_wait3A_616, %dma_wait3A_617] : memref<4096x50x128xf32, #tpu.memory_space<hbm>> -> memref<2x50x128xf32, #tpu.memory_space<hbm>>
      tpu.wait_dma2 semaphore(%arg29 : memref<!tpu.dma_semaphore, #tpu.memory_space<semaphore_mem>>) src(%arg13 : memref<2x50x128xf32, #tpu.memory_space<vmem>>) dst(%dma_wait3A_618 : memref<2x50x128xf32, #tpu.memory_space<hbm>>)
      %add3A_619 = arith.constant 1 : i32
      %add3A_620 = arith.addi %scan3A_213, %add3A_619 : i32
      %lt3A_621 = arith.constant 8 : i32
      %lt3A_622 = arith.cmpi slt, %add3A_620, %lt3A_621 : i32
      %convert_element_type3A_623 = arith.extui %lt3A_622 : i1 to i32
      %cond3A_624 = arith.constant 0 : i32
      %cond3A_625 = arith.cmpi ne, %convert_element_type3A_623, %cond3A_624 : i32
      scf.if %cond3A_625 {
        %add3A_626 = arith.constant 8 : i32
        %add3A_627 = arith.addi %add3A_577, %add3A_626 : i32
        %dma_start3A_628 = arith.constant 0 : i32
        %dma_start3A_629 = arith.constant 0 : i32
        %dma_start3A_630 = arith.constant 0 : i32
        %dma_start3A_631 = arith.constant 0 : i32
        %dma_start3A_632 = tpu.memref_slice %arg13[%dma_start3A_629, %dma_start3A_630, %dma_start3A_631] : memref<2x50x128xf32, #tpu.memory_space<vmem>> -> memref<1x50x128xf32, #tpu.memory_space<vmem>>
        %dma_start3A_633 = tpu.memref_squeeze %dma_start3A_632 : memref<1x50x128xf32, #tpu.memory_space<vmem>> -> memref<50x128xf32, #tpu.memory_space<vmem>>
        %dma_start3A_634 = arith.constant 0 : i32
        %dma_start3A_635 = tpu.memref_slice %arg5[%add3A_627, %dma_start3A_628, %dma_start3A_634] : memref<64x2x50xi32, #tpu.memory_space<vmem>> -> memref<1x1x50xi32, #tpu.memory_space<vmem>>
        %dma_start3A_636 = tpu.memref_squeeze %dma_start3A_635 : memref<1x1x50xi32, #tpu.memory_space<vmem>> -> memref<50xi32, #tpu.memory_space<vmem>>
        %dma_start3A_637 = arith.constant 0 : i32
        %dma_start3A_638 = arith.constant 0 : i32
        %dma_start3A_639 = tpu.memref_slice %arg3[%dma_start3A_637, %dma_start3A_638] : memref<100000x128xf32, #tpu.memory_space<hbm>> -> memref<100000x128xf32, #tpu.memory_space<hbm>>
        tpu.enqueue_indirect_dma source(%dma_start3A_639 : memref<100000x128xf32, #tpu.memory_space<hbm>>) target(%dma_start3A_633 : memref<50x128xf32, #tpu.memory_space<vmem>>) offsets(%dma_start3A_636 : memref<50xi32, #tpu.memory_space<vmem>>) semaphore(%arg21 : memref<!tpu.dma_semaphore, #tpu.memory_space<semaphore_mem>>)
        %dma_start3A_640 = arith.constant 1 : i32
        %dma_start3A_641 = arith.constant 1 : i32
        %dma_start3A_642 = arith.constant 0 : i32
        %dma_start3A_643 = arith.constant 0 : i32
        %dma_start3A_644 = tpu.memref_slice %arg13[%dma_start3A_641, %dma_start3A_642, %dma_start3A_643] : memref<2x50x128xf32, #tpu.memory_space<vmem>> -> memref<1x50x128xf32, #tpu.memory_space<vmem>>
        %dma_start3A_645 = tpu.memref_squeeze %dma_start3A_644 : memref<1x50x128xf32, #tpu.memory_space<vmem>> -> memref<50x128xf32, #tpu.memory_space<vmem>>
        %dma_start3A_646 = arith.constant 0 : i32
        %dma_start3A_647 = tpu.memref_slice %arg5[%add3A_627, %dma_start3A_640, %dma_start3A_646] : memref<64x2x50xi32, #tpu.memory_space<vmem>> -> memref<1x1x50xi32, #tpu.memory_space<vmem>>
        %dma_start3A_648 = tpu.memref_squeeze %dma_start3A_647 : memref<1x1x50xi32, #tpu.memory_space<vmem>> -> memref<50xi32, #tpu.memory_space<vmem>>
        %dma_start3A_649 = arith.constant 0 : i32
        %dma_start3A_650 = arith.constant 0 : i32
        %dma_start3A_651 = tpu.memref_slice %arg3[%dma_start3A_649, %dma_start3A_650] : memref<100000x128xf32, #tpu.memory_space<hbm>> -> memref<100000x128xf32, #tpu.memory_space<hbm>>
        tpu.enqueue_indirect_dma source(%dma_start3A_651 : memref<100000x128xf32, #tpu.memory_space<hbm>>) target(%dma_start3A_645 : memref<50x128xf32, #tpu.memory_space<vmem>>) offsets(%dma_start3A_648 : memref<50xi32, #tpu.memory_space<vmem>>) semaphore(%arg21 : memref<!tpu.dma_semaphore, #tpu.memory_space<semaphore_mem>>)
      } else {
      }
    }
    %scan3A_212 = arith.constant 8 : i32
    return
  }
}

</mosaic_0001>

<sc_bundles>
// kernel: _embed.3.cloned.1.call-start
scs
__scs_entry_jumppad:
0x0: {  	(pc) =	sbr.rel $0x88, $3  }
0x1: {  	(tag) =	ssettag $0x0;
	lr =	simm.s32 $0x1  }
0x2: {  	[smem:$0x3F9F] =	sst lr;
	_ =	strace $0xD0000000  }
0x3: {  	_ = 	snop  }
0x4: {  	_ = 	snop  }
0x5: {  	_ = 	snop  }
0x6: {  	_ = 	snop  }
0x7: {  	_ = 	snop  }
__scs_overlays_trampoline_lowered:
0x8: {  	[smem:$0x3FAE] =	sst s0  }
0x9: {  	[smem:$0x3FAF] =	sst s1  }
0xa: {  	[smem:$0x3FB0] =	sst s2  }
0xb: {  	[smem:$0x3FB1] =	sst s3  }
0xc: {  	[smem:$0x3FB2] =	sst s4  }
0xd: {  	[smem:$0x3FB3] =	sst s5  }
0xe: {  	[smem:$0x3FB4] =	sst s6  }
0xf: {  	[smem:$0x3FB5] =	sst s7  }
0x10: {  	[smem:$0x3FB6] =	sst s8  }
0x11: {  	[smem:$0x3FB7] =	sst s9;
	s0 =	simm.s32 @!p0 $0x0  }
0x12: {  	s1 =	sld [smem:$0x3F9D];
	s0 =	simm.s32 @p0 $0x1  }
0x13: {  	[smem:$0x3FB8] =	sst s0;
	s0 =	simm.s32 @!p1 $0x0  }
0x14: {  	s2 =	sld [smem:$0x3F9C];
	s0 =	simm.s32 @p1 $0x1  }
0x15: {  	[smem:$0x3FB9] =	sst s0;
	s0 =	simm.s32 @!p2 $0x0  }
0x16: {  	s3 =	sld [smem:$0x3FDB];
	s0 =	simm.s32 @p2 $0x1  }
0x17: {  	s4 =	simm.s32 $0x1BF5;
	[smem:$0x3FBB] =	sst s0  }
0x18: {  	s0 =	sld [smem:$0x3F9E];
	_ =	swait.ge [sflag:s4], $0x0  }
0x19: {  	s7 =	sld [smem:$0x3F9F]  }
0x1a: {  	s8 =	sadd.s32 $0xFFFFE003, lr  }
0x1b: {  	s9 =	sadd.s32 $0xFFFFFEF7, lr;
	s5 =	simm.s32 $0xFFFFFFFF;
	p2 =	slt.u32 s8, $0xFFFFF086  }
0x1c: {  	p1 =	slt.u32 s9, $0xF7A;
	s5 =	simm.s32 @!p2 $0x0  }
0x1d: {  	s5 =	simm.s32 @p1 $0x1;
	p0 =	seq.s32 s7, s2  }
0x1e: {  	s7 =	smul.u32 @!p0 $0xF7A, s2;
	p2 =	seq.s32 @!p0 s5, $0x0  }
0x1f: {  	s9 =	smul.u32 $0xF7A, s1;
	s8 =	simm.s32 @!p0 $0x1BF5;
	p2 =	por !p2, p0  }
0x20: {  	[sflag:s8] =	ssyncset.s32 @!p0 $0xFFFFF086;
	s6 =	sadd.s32 @!p0 s3, s7;
	s7 =	simm.s32 @!p0 $0x108  }
0x21: {  	s3 =	sadd.s32 s3, s9;
	s6 =	sadd.s32 @!p0 $0x88, s6;
	s7 =	simm.s32 @p2 $0x1082  }
0x22: {  	[simem:s7], [sflag:s8] =	dma.local @!p0 [hbm:s6], $0xF7A  }
0x23: {  	s9 =	sor.u32 $0xD0000000, s2;
	s6 =	simm.s32 $0x108;
	_ =	swait.ge @!p0 [sflag:s8], $0x0  }
0x24: {  	s3 =	sadd.s32 $0x88, s3;
	s6 =	simm.s32 @!p1 $0x1082;
	[sflag:s4] =	ssyncset.s32 $0xFFFFF086  }
0x25: {  	[simem:s6], [sflag:s4] =	dma.local [hbm:s3], $0xF7A  }
0x26: {  	[smem:$0x3F9F] =	sst s1;
	(tag) =	ssettag s2;
	_ =	strace s9  }
0x27: {  	s1 =	sld [smem:$0x3FAF]  }
0x28: {  	s2 =	sld [smem:$0x3FB0]  }
0x29: {  	s4 =	sld [smem:$0x3FB2]  }
0x2a: {  	p0 =	seq.s32 s5, $0x0;
	s5 =	sld [smem:$0x3FB3]  }
0x2b: {  	s6 =	sld [smem:$0x3FB4]  }
0x2c: {  	s7 =	sld [smem:$0x3FB5]  }
0x2d: {  	s3 =	simm.s32 $0x108;
	s8 =	sld [smem:$0x3FB6]  }
0x2e: {  	s3 =	simm.s32 @!p0 $0x1082;
	s9 =	sld [smem:$0x3FB7]  }
0x2f: {  	lr =	sadd.s32 s0, s3;
	s0 =	sld [smem:$0x3FAE]  }
0x30: {  	s3 =	sld [smem:$0x3FB1]  }
0x31: {  	[smem:$0x3FBA] =	sst s10  }
0x32: {  	s10 =	sld [smem:$0x3FB8];
	_ =	sdelay $0x3  }
0x33: {  	p0 =	seq.s32 s10, $0x1;
	s10 =	sld [smem:$0x3FBA];
	_ =	sdelay $0x3  }
0x34: {  	[smem:$0x3FBA] =	sst s10  }
0x35: {  	s10 =	sld [smem:$0x3FB9];
	_ =	sdelay $0x3  }
0x36: {  	p1 =	seq.s32 s10, $0x1;
	s10 =	sld [smem:$0x3FBA];
	_ =	sdelay $0x3  }
0x37: {  	[smem:$0x3FBA] =	sst s10  }
0x38: {  	s10 =	sld [smem:$0x3FBB]  }
0x39: {  	_ = 	snop;
	(pc) =	sbr.ind lr, $3  }
0x3a: {  	_ = 	snop  }
0x3b: {  	_ = 	snop  }
0x3c: {  	p2 =	seq.s32 s10, $0x1;
	s10 =	sld [smem:$0x3FBA]  }
0x3d: {  	_ =	shalt  }
0x3e: {  	_ =	shalt  }
0x3f: {  	_ =	shalt  }
0x40: {  	_ =	shalt  }
0x41: {  	_ =	shalt  }
0x42: {  	_ =	shalt  }
0x43: {  	_ =	shalt  }
0x44: {  	_ =	shalt  }
0x45: {  	_ =	shalt  }
0x46: {  	_ =	shalt  }
0x47: {  	_ =	shalt  }
0x48: {  	_ =	shalt  }
0x49: {  	_ =	shalt  }
0x4a: {  	_ =	shalt  }
0x4b: {  	_ =	shalt  }
0x4c: {  	_ =	shalt  }
0x4d: {  	_ =	shalt  }
0x4e: {  	_ =	shalt  }
0x4f: {  	_ =	shalt  }
0x50: {  	_ =	shalt  }
0x51: {  	_ =	shalt  }
0x52: {  	_ =	shalt  }
0x53: {  	_ =	shalt  }
0x54: {  	_ =	shalt  }
0x55: {  	_ =	shalt  }
0x56: {  	_ =	shalt  }
0x57: {  	_ =	shalt  }
0x58: {  	_ =	shalt  }
0x59: {  	_ =	shalt  }
0x5a: {  	_ =	shalt  }
0x5b: {  	_ =	shalt  }
0x5c: {  	_ =	shalt  }
0x5d: {  	_ =	shalt  }
0x5e: {  	_ =	shalt  }
0x5f: {  	_ =	shalt  }
0x60: {  	_ =	shalt  }
0x61: {  	_ =	shalt  }
0x62: {  	_ =	shalt  }
0x63: {  	_ =	shalt  }
0x64: {  	_ =	shalt  }
0x65: {  	_ =	shalt  }
0x66: {  	_ =	shalt  }
0x67: {  	_ =	shalt  }
0x68: {  	_ =	shalt  }
0x69: {  	_ =	shalt  }
0x6a: {  	_ =	shalt  }
0x6b: {  	_ =	shalt  }
0x6c: {  	_ =	shalt  }
0x6d: {  	_ =	shalt  }
0x6e: {  	_ =	shalt  }
0x6f: {  	_ =	shalt  }
0x70: {  	_ =	shalt  }
0x71: {  	_ =	shalt  }
0x72: {  	_ =	shalt  }
0x73: {  	_ =	shalt  }
0x74: {  	_ =	shalt  }
0x75: {  	_ =	shalt  }
0x76: {  	_ =	shalt  }
0x77: {  	_ =	shalt  }
0x78: {  	_ =	shalt  }
0x79: {  	_ =	shalt  }
0x7a: {  	_ =	shalt  }
0x7b: {  	_ =	shalt  }
0x7c: {  	_ =	shalt  }
0x7d: {  	_ =	shalt  }
0x7e: {  	_ =	shalt  }
0x7f: {  	_ =	shalt  }
0x80: {  	_ =	shalt  }
0x81: {  	_ =	shalt  }
0x82: {  	_ =	shalt  }
0x83: {  	_ =	shalt  }
0x84: {  	_ =	shalt  }
0x85: {  	_ =	shalt  }
0x86: {  	_ =	shalt  }
0x87: {  	_ =	shalt  }
.Lfunc_end0:
.L_simem_size_0:
called_computation_lowered:
.L_overlay_start_0:
0x88: {  	s2 =	sld [smem:$0x3FD9]  }
0x89: {  	s3 =	sld [smem:$0x3FFE];
	_ =	sdelay $0x1  }
0x8a: {  	s1 =	srdreg.scid  }
0x8b: {  	s0 =	sand.u32 $0x1, s1  }
0x8c: {  	s17 =	sshll.u32 s0, $0xA;
	s2 =	sadd.s32 s3, s2  }
0x8d: {  	s2 =	sadd.s32 s2, s17  }
0x8e: {  	[smem:$0x3FC6] =	sst s2  }
0x8f: {  	_ = 	snop  }
0x90: {  	s2 =	sld [smem:$0x3FC8]  }
0x91: {  	s18 =	sld [smem:$0x3FD0];
	(tm) =	ssettm $0x1  }
0x92: {  	s4 =	sld [smem:$0x3FFB];
	_ =	sdelay $0x3  }
0x93: {  	_ =	strace s4  }
0x94: {  	s4 =	sld [smem:$0x3FFC];
	_ =	sdelay $0x3  }
0x95: {  	_ =	strace s4  }
0x96: {  	s4 =	sld [smem:$0x3FFD];
	_ =	sdelay $0x3  }
0x97: {  	_ =	strace s4  }
0x98: {  	_ =	strace $0x8FFFFFFF  }
0x99: {  	s19 =	sld [smem:$0x3FDB];
	_ =	sdelay $0x1  }
0x9a: {  	s5 =	simm.s32 $_scs_section_size  }
0x9b: {  	s6 =	simm.s32 $_size__tile_overlayer_lowered;
	s7 =	simm.s32 $_tile_overlayer_lowered  }
0x9c: {  	s22 =	simm.s32 $0x1BFF;
	s21 =	sshll.u32 s7, $0x1;
	s4 =	sadd.s32 s5, s19  }
0x9d: {  	s8 =	simm.s32 $0x0;
	s20 =	sshll.u32 s6, $0x1;
	s6 =	sadd.s32 s21, s4  }
0x9e: {  	[timem:s8], [sflag:s22] =	dma.local [hbm:s6], s20  }
0x9f: {  	_ =	swait.ge [sflag:s22], s20  }
0xa0: {  	s5 =	ssub.s32 $0x0, s20;
	[sflag:s22] =	ssyncset.done $0x0  }
0xa1: {  	[sflag:s22] =	ssyncadd.s32 s5;
	_ =	sdelay $0x1  }
0xa2: {  	s23 =	simm.s32 $0x1B8B  }
0xa3: {  	_ =	swait.ge [sflag:s23], $0x1  }
0xa4: {  	[sflag:s23] =	ssyncset.done $0x0  }
0xa5: {  	s25 =	simm.s32 $0x1B8E;
	s24 =	sld [smem:$0x3FFE];
	[sflag:s23] =	ssyncadd.s32 $0xFFFFFFFF  }
0xa6: {  	s26 =	simm.s32 $execute0_lowered;
	[smem:$0x3FD2] =	sst s25  }
0xa7: {  	s6 =	sshll.u32 s26, $0x1;
	_ =	strace $0x80000046;
	[dreg:$0x1] =	wrdreg $0xFFFFFFFF  }
0xa8: {  	s28 =	simm.s32 $_size_execute0_lowered;
	s4 =	sadd.s32 s4, s6;
	[dreg:$0x0] =	wrdreg $0x0  }
0xa9: {  	s6 =	sshll.u32 s28, $0x1;
	[dreg:$0x2] =	wrdreg s4  }
0xaa: {  	[dreg:$0x3] =	wrdreg s6  }
0xab: {  	[dreg:$0x4] =	wrdreg $0xC0  }
0xac: {  	_ =	task [dreg:s8], $0x5FFFF  }
0xad: {  	[dreg:$0x1] =	wrdreg $0xFFFFFFFF  }
0xae: {  	[dreg:$0x0] =	wrdreg $0x60  }
0xaf: {  	[dreg:$0x2] =	wrdreg s18  }
0xb0: {  	[dreg:$0x3] =	wrdreg s2  }
0xb1: {  	[dreg:$0x4] =	wrdreg s24  }
0xb2: {  	[dreg:$0x5] =	wrdreg $0x9  }
0xb3: {  	_ =	task.clear_ibuf [dreg:s8], $0x6FFFF;
	_ =	strace $0x90000046  }
0xb4: {  	s29 =	simm.s32 $0x9;
	_ =	strace $0x80000048  }
0xb5: {  	_ =	swait.ge [sflag:s29], $0x1  }
0xb6: {  	[sflag:s29] =	ssyncadd.s32 $0xFFFFFFFF  }
0xb7: {  	_ =	strace $0x90000048  }
0xb8: {  	_ =	sfence  }
0xb9: {  	s30 =	sld [smem:$0x0];
	_ =	sdelay $0x2  }
0xba: {  	s31 =	sshll.u32 s1, $0xD;
	s1 =	sshrl.u32 s1, $0x2  }
0xbb: {  	s3 =	sand.u32 $0x4000, s31;
	s1 =	sadd.s32 s1, s30  }
0xbc: {  	s0 =	sor.u32 s3, s0;
	s1 =	sshll.u32 s1, $0x11  }
0xbd: {  	s0 =	sor.u32 s1, s0  }
0xbe: {  	s0 =	sadd.s32 $0x8F2B, s0  }
0xbf: {  	[sflag:s0] =	ssyncadd.remote.s32 $0x1  }
0xc0: {  	_ =	sfence.sel $0xFFFF  }
0xc1: {  	[dreg:$0x0] =	wrdreg $0xFFFFFFFF;
	(pc) =	sbr.abs _section_cstart, $3  }
0xc2: {  	[dreg:$0x1] =	wrdreg $0xFFFFFFFF  }
0xc3: {  	_ =	task.clear_ibuf [dreg:s8], $0x2FFFF;
	_ =	strace $0x9FFFFFFF  }
0xc4: {  	(tm) =	ssettm $0x7FFFFFFF  }
0xc5: {  	_ =	shalt  }
tec
execute0_lowered:
.L_overlay_start_1:
0x0: {  	(tag) =	ssettag $0x1  }
0x1: {  	s0 =	rddreg [dreg:$0x0]  }
0x2: {  	s1 =	rddreg [dreg:$0x1]  }
0x3: {  	s2 =	rddreg [dreg:$0x2];
	s4 =	srdreg.scid;
	s3 =	simm.s32 $0x0  }
0x4: {  	s8 =	stileid.u32;
	s19 =	simm.s32 $0x4000;
	s21 =	simm.s32 $0x5C00  }
0x5: {  	s23 =	simm.s32 $0x7800;
	s10 =	simm.s32 $0xCC00;
	s14 =	simm.s32 $0xE800  }
0x6: {  	s18 =	simm.s32 $0x10400;
	s22 =	simm.s32 $0x12000;
	s28 =	simm.s32 $0x13C00  }
0x7: {  	s30 =	simm.s32 $0x15800;
	s29 =	simm.s32 $0x2;
	s31 =	simm.s32 $0xA  }
0x8: {  	s12 =	simm.s32 $0xB;
	s16 =	simm.s32 $0x4;
	s20 =	simm.s32 $0xC  }
0x9: {  	s11 =	simm.s32 $0x8;
	s13 =	simm.s32 $0x10;
	s17 =	simm.s32 $0x0  }
0xa: {  	s4 =	sand.u32 $0x1, s4;
	[smem:$0x7FF] =	sst s3;
	s6 =	smul.u32 $0x38000, s8  }
0xb: {  	s8 =	sshll.u32 s8, $0xC;
	s5 =	ssub.s32 $0x2, s4;
	_ =	strace $0x80000047  }
0xc: {  	s9 =	sshll.u32 s4, $0xB;
	s4 =	smul.u32 $0x1C000, s4;
	s7 =	sshrl.u32 s5, $0x1  }
0xd: {  	s2 =	sadd.s32 s6, s2;
	s24 =	sor.u32 s9, s8;
	s6 =	simm.s32 $0x6  }
0xe: {  	s8 =	simm.s32 $0x7;
	s9 =	simm.s32 $0xF;
	s5 =	ssub.s32 s5, s7  }
0xf: {  	s0 =	sadd.s32 s0, s24;
	s26 =	sadd.s32 s4, s2;
	s24 =	simm.s32 $0x1  }
0x10: {  	s2 =	simm.s32 $0x3;
	s4 =	simm.s32 $0x5;
	s7 =	simm.s32 $0xE  }
0x11: {  	[dreg:$0x4] =	wrdreg s0;
	s25 =	smax.u32 s5, $0x1;
	s0 =	sadd.s32 $0x400, s26  }
0x12: {  	s26 =	simm.s32 $0x9;
	s5 =	simm.s32 $0xD;
	[dreg:$0x5] =	wrdreg s25  }
0x13: {  	[dreg:$0x6] =	wrdreg s0;
	s25 =	simm.s32 $0x9400;
	s0 =	simm.s32 $0xB000  }
.LBB2_1:
0x14: {  	[dreg:$0x7] =	wrdreg s17  }
0x15: {  	s15 =	rddreg [dreg:$0x4];
	s17 =	simm.s32 $0x11  }
0x16: {  	[tilespmem:s3], [sflag:$0x11] =	stream.linear.gather [hbm4b:s15+s3], $0x4000, $0x38;
	v63 =	vld [tilespmem:$0x0]  }
0x17: {  	_ =	swait.ge [sflag:s17], $0x4000  }
0x18: {  	[sflag:s17] =	ssyncset.done $0x0  }
0x19: {  	s15 =	simm.s32 $0x32;
	[sflag:s17] =	ssyncadd.s32 $0xFFFFC000  }
0x1a: {  	[tilespmem:s19], [sflag:$0x1] =	stream.indirect.gather [hbm4b:s1+s15], $0x80, s3, s15, $0xb8;
	v63 =	vld [tilespmem:$0x0]  }
0x1b: {  	s17 =	simm.s32 $0x80  }
0x1c: {  	[tilespmem:s21], [sflag:$0x1] =	stream.indirect.gather [hbm4b:s1+s15], $0x80, s17, s15, $0xb8;
	v63 =	vld [tilespmem:$0x0]  }
0x1d: {  	s17 =	simm.s32 $0x100  }
0x1e: {  	[tilespmem:s23], [sflag:$0x2] =	stream.indirect.gather [hbm4b:s1+s15], $0x80, s17, s15, $0xb8;
	v63 =	vld [tilespmem:$0x0]  }
0x1f: {  	s23 =	simm.s32 $0x180  }
0x20: {  	[tilespmem:s25], [sflag:$0x2] =	stream.indirect.gather [hbm4b:s1+s15], $0x80, s23, s15, $0xb8;
	v63 =	vld [tilespmem:$0x0]  }
0x21: {  	s23 =	simm.s32 $0x200  }
0x22: {  	[tilespmem:s0], [sflag:$0x3] =	stream.indirect.gather [hbm4b:s1+s15], $0x80, s23, s15, $0xb8;
	v63 =	vld [tilespmem:$0x0]  }
0x23: {  	s25 =	simm.s32 $0x280  }
0x24: {  	[tilespmem:s10], [sflag:$0x3] =	stream.indirect.gather [hbm4b:s1+s15], $0x80, s25, s15, $0xb8;
	v63 =	vld [tilespmem:$0x0]  }
0x25: {  	s10 =	simm.s32 $0x300  }
0x26: {  	[tilespmem:s14], [sflag:$0x4] =	stream.indirect.gather [hbm4b:s1+s15], $0x80, s10, s15, $0xb8;
	v63 =	vld [tilespmem:$0x0]  }
0x27: {  	s17 =	simm.s32 $0x380  }
0x28: {  	[tilespmem:s18], [sflag:$0x4] =	stream.indirect.gather [hbm4b:s1+s15], $0x80, s17, s15, $0xb8;
	v63 =	vld [tilespmem:$0x0]  }
0x29: {  	s18 =	simm.s32 $0x400  }
0x2a: {  	[tilespmem:s22], [sflag:$0x5] =	stream.indirect.gather [hbm4b:s1+s15], $0x80, s18, s15, $0xb8;
	v63 =	vld [tilespmem:$0x0]  }
0x2b: {  	s23 =	simm.s32 $0x480  }
0x2c: {  	[tilespmem:s28], [sflag:$0x5] =	stream.indirect.gather [hbm4b:s1+s15], $0x80, s23, s15, $0xb8;
	v63 =	vld [tilespmem:$0x0]  }
0x2d: {  	s25 =	simm.s32 $0x500  }
0x2e: {  	[tilespmem:s30], [sflag:$0x6] =	stream.indirect.gather [hbm4b:s1+s15], $0x80, s25, s15, $0xb8;
	v63 =	vld [tilespmem:$0x0]  }
0x2f: {  	s10 =	simm.s32 $0x580;
	s14 =	simm.s32 $0x17400  }
0x30: {  	[tilespmem:s14], [sflag:$0x6] =	stream.indirect.gather [hbm4b:s1+s15], $0x80, s10, s15, $0xb8;
	v63 =	vld [tilespmem:$0x0]  }
0x31: {  	s17 =	simm.s32 $0x600;
	s18 =	simm.s32 $0x19000  }
0x32: {  	[tilespmem:s18], [sflag:$0x7] =	stream.indirect.gather [hbm4b:s1+s15], $0x80, s17, s15, $0xb8;
	v63 =	vld [tilespmem:$0x0]  }
0x33: {  	s0 =	simm.s32 $0x13C00;
	s22 =	simm.s32 $0x680;
	s10 =	simm.s32 $0x1AC00  }
0x34: {  	[tilespmem:s10], [sflag:$0x7] =	stream.indirect.gather [hbm4b:s1+s15], $0x80, s22, s15, $0xb8;
	v63 =	vld [tilespmem:$0x0]  }
0x35: {  	s23 =	simm.s32 $0x700;
	s28 =	simm.s32 $0x15800;
	s30 =	simm.s32 $0x1C800  }
0x36: {  	[tilespmem:s30], [sflag:$0x8] =	stream.indirect.gather [hbm4b:s1+s15], $0x80, s23, s15, $0xb8;
	v63 =	vld [tilespmem:$0x0]  }
0x37: {  	s25 =	simm.s32 $0x780;
	s14 =	simm.s32 $0x1E400;
	s17 =	simm.s32 $0x0  }
0x38: {  	[tilespmem:s14], [sflag:$0x8] =	stream.indirect.gather [hbm4b:s1+s15], $0x80, s25, s15, $0xb8;
	v63 =	vld [tilespmem:$0x0]  }
0x39: {  	s18 =	simm.s32 $0x10400;
	s22 =	simm.s32 $0x12000;
	s15 =	rddreg [dreg:$0x6]  }
.LBB2_2:
0x3a: {  	_ =	swait.ge [sflag:s24], $0x1900  }
0x3b: {  	[sflag:s24] =	ssyncset.done $0x0  }
0x3c: {  	[sflag:s24] =	ssyncadd.s32 $0xFFFFE700  }
0x3d: {  	_ =	swait.ge [sflag:s24], $0x1900  }
0x3e: {  	[sflag:s24] =	ssyncset.done $0x0  }
0x3f: {  	[sflag:s24] =	ssyncadd.s32 $0xFFFFE700  }
0x40: {  	[hbm4b:s15+s3] =	stream.linear.scatter [tilespmem:s19], [sflag:$0x9], $0x1900, $0x38;
	v63 =	vld [tilespmem:$0x0]  }
0x41: {  	s23 =	sadd.s32 $0x380, s15  }
0x42: {  	[hbm4b:s23+s3] =	stream.linear.scatter [tilespmem:s21], [sflag:$0x9], $0x1900, $0x38;
	v63 =	vld [tilespmem:$0x0]  }
0x43: {  	p0 =	seq.s32 s17, $0xE000;
	_ =	swait.ge [sflag:s26], $0x3200  }
0x44: {  	s25 =	simm.s32 @!p0 $0x4000;
	s19 =	sshra.s32 @!p0 s17, $0x2;
	[sflag:s26] =	ssyncset.done $0x0  }
0x45: {  	s23 =	sadd.s32 @!p0 $0x800, s19;
	s21 =	simm.s32 @!p0 $0x32;
	[sflag:s26] =	ssyncadd.s32 $0xFFFFCE00  }
0x46: {  	[tilespmem:s25], [sflag:$0x1] =	stream.indirect.gather @!p0 [hbm4b:s1+s21], $0x80, s23, s21, $0xb8;
	v63 =	vld [tilespmem:$0x0]  }
0x47: {  	s23 =	sadd.s32 @!p0 $0x880, s19;
	s25 =	simm.s32 @!p0 $0x5C00  }
0x48: {  	[tilespmem:s25], [sflag:$0x1] =	stream.indirect.gather @!p0 [hbm4b:s1+s21], $0x80, s23, s21, $0xb8;
	v63 =	vld [tilespmem:$0x0]  }
0x49: {  	_ =	swait.ge [sflag:s29], $0x1900  }
0x4a: {  	[sflag:s29] =	ssyncset.done $0x0  }
0x4b: {  	[sflag:s29] =	ssyncadd.s32 $0xFFFFE700  }
0x4c: {  	_ =	swait.ge [sflag:s29], $0x1900  }
0x4d: {  	[sflag:s29] =	ssyncset.done $0x0  }
0x4e: {  	s23 =	sadd.s32 $0x700, s15;
	s25 =	simm.s32 $0x7800;
	[sflag:s29] =	ssyncadd.s32 $0xFFFFE700  }
0x4f: {  	[hbm4b:s23+s3] =	stream.linear.scatter [tilespmem:s25], [sflag:$0xA], $0x1900, $0x38;
	v63 =	vld [tilespmem:$0x0]  }
0x50: {  	s23 =	sadd.s32 $0xA80, s15;
	s25 =	simm.s32 $0x9400  }
0x51: {  	[hbm4b:s23+s3] =	stream.linear.scatter [tilespmem:s25], [sflag:$0xA], $0x1900, $0x38;
	v63 =	vld [tilespmem:$0x0]  }
0x52: {  	_ =	swait.ge [sflag:s31], $0x3200  }
0x53: {  	[sflag:s31] =	ssyncset.done $0x0  }
0x54: {  	s23 =	sadd.s32 @!p0 $0x900, s19;
	s25 =	simm.s32 @!p0 $0x7800;
	[sflag:s31] =	ssyncadd.s32 $0xFFFFCE00  }
0x55: {  	[tilespmem:s25], [sflag:$0x2] =	stream.indirect.gather @!p0 [hbm4b:s1+s21], $0x80, s23, s21, $0xb8;
	v63 =	vld [tilespmem:$0x0]  }
0x56: {  	s23 =	sadd.s32 @!p0 $0x980, s19;
	s25 =	simm.s32 @!p0 $0x9400  }
0x57: {  	[tilespmem:s25], [sflag:$0x2] =	stream.indirect.gather @!p0 [hbm4b:s1+s21], $0x80, s23, s21, $0xb8;
	v63 =	vld [tilespmem:$0x0]  }
0x58: {  	_ =	swait.ge [sflag:s2], $0x1900  }
0x59: {  	[sflag:s2] =	ssyncset.done $0x0  }
0x5a: {  	[sflag:s2] =	ssyncadd.s32 $0xFFFFE700  }
0x5b: {  	_ =	swait.ge [sflag:s2], $0x1900  }
0x5c: {  	[sflag:s2] =	ssyncset.done $0x0  }
0x5d: {  	s23 =	sadd.s32 $0xE00, s15;
	s25 =	simm.s32 $0xB000;
	[sflag:s2] =	ssyncadd.s32 $0xFFFFE700  }
0x5e: {  	[hbm4b:s23+s3] =	stream.linear.scatter [tilespmem:s25], [sflag:$0xB], $0x1900, $0x38;
	v63 =	vld [tilespmem:$0x0]  }
0x5f: {  	s23 =	sadd.s32 $0x1180, s15;
	s25 =	simm.s32 $0xCC00  }
0x60: {  	[hbm4b:s23+s3] =	stream.linear.scatter [tilespmem:s25], [sflag:$0xB], $0x1900, $0x38;
	v63 =	vld [tilespmem:$0x0]  }
0x61: {  	_ =	swait.ge [sflag:s12], $0x3200  }
0x62: {  	[sflag:s12] =	ssyncset.done $0x0  }
0x63: {  	s23 =	sadd.s32 @!p0 $0xA00, s19;
	s25 =	simm.s32 @!p0 $0xB000;
	[sflag:s12] =	ssyncadd.s32 $0xFFFFCE00  }
0x64: {  	[tilespmem:s25], [sflag:$0x3] =	stream.indirect.gather @!p0 [hbm4b:s1+s21], $0x80, s23, s21, $0xb8;
	v63 =	vld [tilespmem:$0x0]  }
0x65: {  	s23 =	sadd.s32 @!p0 $0xA80, s19;
	s25 =	simm.s32 @!p0 $0xCC00  }
0x66: {  	[tilespmem:s25], [sflag:$0x3] =	stream.indirect.gather @!p0 [hbm4b:s1+s21], $0x80, s23, s21, $0xb8;
	v63 =	vld [tilespmem:$0x0]  }
0x67: {  	_ =	swait.ge [sflag:s16], $0x1900  }
0x68: {  	[sflag:s16] =	ssyncset.done $0x0  }
0x69: {  	[sflag:s16] =	ssyncadd.s32 $0xFFFFE700  }
0x6a: {  	_ =	swait.ge [sflag:s16], $0x1900  }
0x6b: {  	[sflag:s16] =	ssyncset.done $0x0  }
0x6c: {  	s23 =	sadd.s32 $0x1500, s15;
	s25 =	simm.s32 $0xE800;
	[sflag:s16] =	ssyncadd.s32 $0xFFFFE700  }
0x6d: {  	[hbm4b:s23+s3] =	stream.linear.scatter [tilespmem:s25], [sflag:$0xC], $0x1900, $0x38;
	v63 =	vld [tilespmem:$0x0]  }
0x6e: {  	s25 =	sadd.s32 $0x1880, s15  }
0x6f: {  	[hbm4b:s25+s3] =	stream.linear.scatter [tilespmem:s18], [sflag:$0xC], $0x1900, $0x38;
	v63 =	vld [tilespmem:$0x0]  }
0x70: {  	_ =	swait.ge [sflag:s20], $0x3200  }
0x71: {  	[sflag:s20] =	ssyncset.done $0x0  }
0x72: {  	s23 =	sadd.s32 @!p0 $0xB00, s19;
	s25 =	simm.s32 @!p0 $0xE800;
	[sflag:s20] =	ssyncadd.s32 $0xFFFFCE00  }
0x73: {  	[tilespmem:s25], [sflag:$0x4] =	stream.indirect.gather @!p0 [hbm4b:s1+s21], $0x80, s23, s21, $0xb8;
	v63 =	vld [tilespmem:$0x0]  }
0x74: {  	s23 =	sadd.s32 @!p0 $0xB80, s19;
	s25 =	simm.s32 @!p0 $0x10400  }
0x75: {  	[tilespmem:s25], [sflag:$0x4] =	stream.indirect.gather @!p0 [hbm4b:s1+s21], $0x80, s23, s21, $0xb8;
	v63 =	vld [tilespmem:$0x0]  }
0x76: {  	_ =	swait.ge [sflag:s4], $0x1900  }
0x77: {  	[sflag:s4] =	ssyncset.done $0x0  }
0x78: {  	[sflag:s4] =	ssyncadd.s32 $0xFFFFE700  }
0x79: {  	_ =	swait.ge [sflag:s4], $0x1900  }
0x7a: {  	[sflag:s4] =	ssyncset.done $0x0  }
0x7b: {  	s25 =	sadd.s32 $0x1C00, s15;
	[sflag:s4] =	ssyncadd.s32 $0xFFFFE700  }
0x7c: {  	[hbm4b:s25+s3] =	stream.linear.scatter [tilespmem:s22], [sflag:$0xD], $0x1900, $0x38;
	v63 =	vld [tilespmem:$0x0]  }
0x7d: {  	s25 =	sadd.s32 $0x1F80, s15  }
0x7e: {  	[hbm4b:s25+s3] =	stream.linear.scatter [tilespmem:s0], [sflag:$0xD], $0x1900, $0x38;
	v63 =	vld [tilespmem:$0x0]  }
0x7f: {  	_ =	swait.ge [sflag:s5], $0x3200  }
0x80: {  	[sflag:s5] =	ssyncset.done $0x0  }
0x81: {  	s23 =	sadd.s32 @!p0 $0xC00, s19;
	s25 =	simm.s32 @!p0 $0x12000;
	[sflag:s5] =	ssyncadd.s32 $0xFFFFCE00  }
0x82: {  	[tilespmem:s25], [sflag:$0x5] =	stream.indirect.gather @!p0 [hbm4b:s1+s21], $0x80, s23, s21, $0xb8;
	v63 =	vld [tilespmem:$0x0]  }
0x83: {  	s23 =	sadd.s32 @!p0 $0xC80, s19;
	s25 =	simm.s32 @!p0 $0x13C00  }
0x84: {  	[tilespmem:s25], [sflag:$0x5] =	stream.indirect.gather @!p0 [hbm4b:s1+s21], $0x80, s23, s21, $0xb8;
	v63 =	vld [tilespmem:$0x0]  }
0x85: {  	_ =	swait.ge [sflag:s6], $0x1900  }
0x86: {  	[sflag:s6] =	ssyncset.done $0x0  }
0x87: {  	[sflag:s6] =	ssyncadd.s32 $0xFFFFE700  }
0x88: {  	_ =	swait.ge [sflag:s6], $0x1900  }
0x89: {  	[sflag:s6] =	ssyncset.done $0x0  }
0x8a: {  	s25 =	sadd.s32 $0x2300, s15;
	[sflag:s6] =	ssyncadd.s32 $0xFFFFE700  }
0x8b: {  	[hbm4b:s25+s3] =	stream.linear.scatter [tilespmem:s28], [sflag:$0xE], $0x1900, $0x38;
	v63 =	vld [tilespmem:$0x0]  }
0x8c: {  	s23 =	sadd.s32 $0x2680, s15;
	s25 =	simm.s32 $0x17400  }
0x8d: {  	[hbm4b:s23+s3] =	stream.linear.scatter [tilespmem:s25], [sflag:$0xE], $0x1900, $0x38;
	v63 =	vld [tilespmem:$0x0]  }
0x8e: {  	_ =	swait.ge [sflag:s7], $0x3200  }
0x8f: {  	[sflag:s7] =	ssyncset.done $0x0  }
0x90: {  	s23 =	sadd.s32 @!p0 $0xD00, s19;
	s25 =	simm.s32 @!p0 $0x15800;
	[sflag:s7] =	ssyncadd.s32 $0xFFFFCE00  }
0x91: {  	[tilespmem:s25], [sflag:$0x6] =	stream.indirect.gather @!p0 [hbm4b:s1+s21], $0x80, s23, s21, $0xb8;
	v63 =	vld [tilespmem:$0x0]  }
0x92: {  	s23 =	sadd.s32 @!p0 $0xD80, s19;
	s25 =	simm.s32 @!p0 $0x17400  }
0x93: {  	[tilespmem:s25], [sflag:$0x6] =	stream.indirect.gather @!p0 [hbm4b:s1+s21], $0x80, s23, s21, $0xb8;
	v63 =	vld [tilespmem:$0x0]  }
0x94: {  	_ =	swait.ge [sflag:s8], $0x1900  }
0x95: {  	[sflag:s8] =	ssyncset.done $0x0  }
0x96: {  	[sflag:s8] =	ssyncadd.s32 $0xFFFFE700  }
0x97: {  	_ =	swait.ge [sflag:s8], $0x1900  }
0x98: {  	[sflag:s8] =	ssyncset.done $0x0  }
0x99: {  	s23 =	sadd.s32 $0x2A00, s15;
	s25 =	simm.s32 $0x19000;
	[sflag:s8] =	ssyncadd.s32 $0xFFFFE700  }
0x9a: {  	[hbm4b:s23+s3] =	stream.linear.scatter [tilespmem:s25], [sflag:$0xF], $0x1900, $0x38;
	v63 =	vld [tilespmem:$0x0]  }
0x9b: {  	s25 =	sadd.s32 $0x2D80, s15  }
0x9c: {  	[hbm4b:s25+s3] =	stream.linear.scatter [tilespmem:s10], [sflag:$0xF], $0x1900, $0x38;
	v63 =	vld [tilespmem:$0x0]  }
0x9d: {  	_ =	swait.ge [sflag:s9], $0x3200  }
0x9e: {  	[sflag:s9] =	ssyncset.done $0x0  }
0x9f: {  	s23 =	sadd.s32 @!p0 $0xE00, s19;
	s25 =	simm.s32 @!p0 $0x19000;
	[sflag:s9] =	ssyncadd.s32 $0xFFFFCE00  }
0xa0: {  	[tilespmem:s25], [sflag:$0x7] =	stream.indirect.gather @!p0 [hbm4b:s1+s21], $0x80, s23, s21, $0xb8;
	v63 =	vld [tilespmem:$0x0]  }
0xa1: {  	s23 =	sadd.s32 @!p0 $0xE80, s19;
	s25 =	simm.s32 @!p0 $0x1AC00  }
0xa2: {  	[tilespmem:s25], [sflag:$0x7] =	stream.indirect.gather @!p0 [hbm4b:s1+s21], $0x80, s23, s21, $0xb8;
	v63 =	vld [tilespmem:$0x0]  }
0xa3: {  	_ =	swait.ge [sflag:s11], $0x1900  }
0xa4: {  	[sflag:s11] =	ssyncset.done $0x0  }
0xa5: {  	[sflag:s11] =	ssyncadd.s32 $0xFFFFE700  }
0xa6: {  	_ =	swait.ge [sflag:s11], $0x1900  }
0xa7: {  	[sflag:s11] =	ssyncset.done $0x0  }
0xa8: {  	s25 =	sadd.s32 $0x3100, s15;
	[sflag:s11] =	ssyncadd.s32 $0xFFFFE700  }
0xa9: {  	[hbm4b:s25+s3] =	stream.linear.scatter [tilespmem:s30], [sflag:$0x10], $0x1900, $0x38;
	v63 =	vld [tilespmem:$0x0]  }
0xaa: {  	s17 =	sadd.s32 @!p0 $0x2000, s17;
	s25 =	sadd.s32 $0x3480, s15  }
0xab: {  	[hbm4b:s25+s3] =	stream.linear.scatter [tilespmem:s14], [sflag:$0x10], $0x1900, $0x38;
	v63 =	vld [tilespmem:$0x0]  }
0xac: {  	p1 =	sne.s32 @!p0 s17, $0x10000;
	_ =	swait.ge [sflag:s13], $0x3200  }
0xad: {  	p1 =	por p0, !p1;
	s23 =	sadd.s32 @!p0 $0xF00, s19;
	[sflag:s13] =	ssyncset.done $0x0  }
.Ltmp0:
0xae: {  	s25 =	simm.s32 @!p0 $0x1C800;
	[sflag:s13] =	ssyncadd.s32 $0xFFFFCE00;
	(pc) =	sbr.rel @!p1 .LBB2_2-.Ltmp0, $4  }
0xaf: {  	[tilespmem:s25], [sflag:$0x8] =	stream.indirect.gather @!p0 [hbm4b:s1+s21], $0x80, s23, s21, $0xb8;
	v63 =	vld [tilespmem:$0x0]  }
0xb0: {  	s19 =	sadd.s32 @!p0 $0xF80, s19;
	s23 =	simm.s32 @!p0 $0x1E400  }
0xb1: {  	[tilespmem:s23], [sflag:$0x8] =	stream.indirect.gather @!p0 [hbm4b:s1+s21], $0x80, s19, s21, $0xb8;
	v63 =	vld [tilespmem:$0x0]  }
0xb2: {  	s15 =	sadd.s32 @!p0 $0x3800, s15;
	s21 =	simm.s32 $0x5C00;
	s19 =	simm.s32 $0x4000  }
0xb3: {  	s17 =	rddreg [dreg:$0x7]  }
0xb4: {  	s15 =	rddreg [dreg:$0x5];
	s17 =	sadd.s32 $0x1, s17  }
0xb5: {  	p0 =	sne.s32 s17, s15  }
.Ltmp1:
0xb6: {  	_ = 	snop;
	(pc) =	sbr.rel @p0 .LBB2_1-.Ltmp1, $4  }
0xb7: {  	_ = 	snop  }
0xb8: {  	s23 =	simm.s32 $0x7800;
	s25 =	simm.s32 $0x9400;
	s0 =	simm.s32 $0xB000  }
0xb9: {  	s10 =	simm.s32 $0xCC00;
	s14 =	simm.s32 $0xE800;
	s18 =	simm.s32 $0x10400  }
0xba: {  	s22 =	simm.s32 $0x12000;
	s28 =	simm.s32 $0x13C00;
	s30 =	simm.s32 $0x15800  }
0xbb: {  	_ =	sfence.sel $0x180000  }
0xbc: {  	[bflag:$0x0] =	sbarrier.arrive $0xFFFF  }
0xbd: {  	_ =	strace $0x90000047  }
0xbe: {  	s0 =	stileid.u32;
	[bflag:$0x2] =	sbarrier.arrive $0xFFFF  }
0xbf: {  	p0 =	sne.s32 s0, $0x0;
	s0 =	rddreg [dreg:$0x3]  }
0xc0: {  	s0 =	sadd.s32 @!p0 $0x100000, s0  }
0xc1: {  	[sflag:s0] =	ssyncadd.tile.s32 @!p0 $0x1;
	_ =	shalt  }
.Lfunc_end2:
_tile_overlayer_lowered:
.L_overlay_start_2:
0xc2: {  	(tag) =	ssettag $0x2  }
0xc3: {  	s0 =	rddreg [dreg:$0x0];
	s2 =	stileid.u32  }
0xc4: {  	s1 =	rddreg [dreg:$0x1];
	p0 =	sne.s32 s2, $0x0  }
0xc5: {  	s3 =	rddreg [dreg:$0x2];
	[bflag:$0x3] =	sbarrier.arrive $0xFFFF;
	s2 =	simm.s32 @!p0 $0x1C11  }
0xc6: {  	[timem:s3], [sflag:s2] =	dma.local @!p0 [hbm:s0], s1  }
0xc7: {  	s0 =	simm.s32 @!p0 $0x11  }
0xc8: {  	_ =	swait.ge @!p0 [sflag:s0], s1  }
0xc9: {  	s1 =	ssub.s32 @!p0 $0x0, s1;
	[sflag:s0] =	ssyncset.done @!p0 $0x0  }
0xca: {  	[sflag:s0] =	ssyncadd.s32 @!p0 s1  }
0xcb: {  	[bflag:$0x3] =	sbarrier.arrive $0xFFFF  }
0xcc: {  	_ =	shalt  }

</sc_bundles>
